<compile_context>
chip_gen: v7x
topology: tpu7x:2x2x1
jax: 0.10.2.dev20260603
libtpu: 0.0.44.dev20260713+nightly
codegen_flags: <defaults>
</compile_context>

<pallas_src>
import functools

import jax
import jax.numpy as jnp
from jax import lax
from jax.experimental import pallas as pl
from jax.experimental.pallas import tpu as pltpu
from jax.experimental.pallas import tpu_sc as plsc

N_NODES_K = 100000
NUM_SEG_K = 1024
D_K = 128

_GROUP = 128
_NFULL = N_NODES_K // _GROUP
_TAIL = N_NODES_K - _NFULL * _GROUP
_NG = _NFULL + (1 if _TAIL else 0)
_NW = 32
_KMAX = -(-_NG // _NW)
_DUMP = NUM_SEG_K
_ACC_ROWS = 1152
_STRIPE = _ACC_ROWS // 16


def _sc_body(x_hbm, ids_hbm, zbig_hbm,
             sums_out, acc, data_v, idx_v,
             sem_i0, sem_i1, sem_i2, sem_i3, sem_d0, sem_d1, sem_d2, sem_d3):
    cid = lax.axis_index("c")
    sid = lax.axis_index("s")
    wid = sid * 2 + cid
    sem_i = (sem_i0, sem_i1, sem_i2, sem_i3)
    sem_d = (sem_d0, sem_d1, sem_d2, sem_d3)

    def start_group(kk, b):
        g = wid + kk * _NW

        @pl.when(g < _NG - 1)
        def _():
            base = g * _GROUP
            pltpu.async_copy(ids_hbm.at[pl.ds(base, _GROUP)],
                             idx_v.at[b], sem_i[b])
            pltpu.async_copy(x_hbm.at[pl.ds(base, _GROUP)],
                             data_v.at[b], sem_d[b])

    def process_group(kk, b):
        g = wid + kk * _NW
        base = g * _GROUP

        @pl.when(g < _NG - 1)
        def _full():
            pltpu.make_async_copy(ids_hbm.at[pl.ds(base, _GROUP)],
                                  idx_v.at[b], sem_i[b]).wait()
            pltpu.make_async_copy(x_hbm.at[pl.ds(base, _GROUP)],
                                  data_v.at[b], sem_d[b]).wait()
            pltpu.sync_copy(data_v.at[b], acc.at[idx_v.at[b]], add=True)

        @pl.when(g == _NG - 1)
        def _tail():
            for j in range(_TAIL, _GROUP, 16):
                idx_v[b, pl.ds(j, 16)] = jnp.full((16,), _DUMP, jnp.int32)
            pltpu.sync_copy(ids_hbm.at[pl.ds(base, _TAIL)],
                            idx_v.at[b, pl.ds(0, _TAIL)])
            pltpu.sync_copy(x_hbm.at[pl.ds(base, _TAIL)],
                            data_v.at[b, pl.ds(0, _TAIL)])
            pltpu.sync_copy(data_v.at[b], acc.at[idx_v.at[b]], add=True)

    for kk0 in range(3):
        start_group(kk0, kk0)

    pltpu.sync_copy(zbig_hbm, acc.at[pl.ds(sid * _STRIPE, _STRIPE)])
    plsc.subcore_barrier()

    def body(j, carry):
        for b in range(4):
            kk = 4 * j + b
            start_group(kk + 3, (b + 3) % 4)
            process_group(kk, b)
        return carry

    lax.fori_loop(0, (_KMAX + 3) // 4, body, 0)
    plsc.subcore_barrier()

    out_rows = NUM_SEG_K // 16
    pltpu.sync_copy(acc.at[pl.ds(sid * out_rows, out_rows)],
                    sums_out.at[cid, pl.ds(sid * out_rows, out_rows)])


@functools.partial(
    pl.kernel,
    out_type=jax.ShapeDtypeStruct((2, NUM_SEG_K, D_K), jnp.float32),
    mesh=plsc.VectorSubcoreMesh(core_axis_name="c", subcore_axis_name="s"),
    scratch_types=(
        pltpu.VMEM_SHARED((_ACC_ROWS, D_K), jnp.float32),
        pltpu.VMEM((4, _GROUP, D_K), jnp.float32),
        pltpu.VMEM((4, _GROUP), jnp.int32),
        pltpu.SemaphoreType.DMA,
        pltpu.SemaphoreType.DMA,
        pltpu.SemaphoreType.DMA,
        pltpu.SemaphoreType.DMA,
        pltpu.SemaphoreType.DMA,
        pltpu.SemaphoreType.DMA,
        pltpu.SemaphoreType.DMA,
        pltpu.SemaphoreType.DMA,
    ),
)
def _sc_segment_sum(x_hbm, ids_hbm, zbig_hbm,
                    sums_out, acc, data_v, idx_v,
                    sem_i0, sem_i1, sem_i2, sem_i3, sem_d0, sem_d1, sem_d2,
                    sem_d3):
    _sc_body(x_hbm, ids_hbm, zbig_hbm,
             sums_out, acc, data_v, idx_v,
             sem_i0, sem_i1, sem_i2, sem_i3, sem_d0, sem_d1, sem_d2, sem_d3)


def _tc_mlp_body(sums_ref, wl_ref, wg_ref, bg_ref, out_ref):
    s = sums_ref[0] + sums_ref[1]
    wc = jnp.dot(wl_ref[...], wg_ref[...], preferred_element_type=jnp.float32)
    out = jnp.dot(s, wc, preferred_element_type=jnp.float32)
    out_ref[...] = out + bg_ref[...]


def kernel(x, segment_ids, W_local, b_local, W_global, b_global):
    ids = segment_ids.astype(jnp.int32)
    zbig = jnp.zeros((_STRIPE, D_K), jnp.float32)
    sums = _sc_segment_sum(x, ids, zbig)
    return pl.pallas_call(
        _tc_mlp_body,
        out_shape=jax.ShapeDtypeStruct((NUM_SEG_K, D_K), jnp.float32),
    )(sums, W_local, W_global, b_global.reshape(1, D_K))

# --- scband reference (transcript-rebuilt; emitter-appended) ---
"""Pipeline reference for scband-graph-level-readout-67250597921411 (READ-ONLY COPY).

The authoritative reference and input builder live on the scoring server;
editing this copy changes nothing except your own understanding.
"""

import jax, jax.numpy as jnp
import numpy as np

NUM_GRAPHS = 1024
N_NODES = 100000
D = 128

def setup_inputs(seed: int = 0) -> dict:
    key = jax.random.key(seed)
    k1, k2, k3, k4 = jax.random.split(key, 4)
    x = jax.random.normal(k1, (N_NODES, D), dtype=jnp.float32)
    segment_ids = jnp.sort(jax.random.randint(k2, (N_NODES,), 0, NUM_GRAPHS, dtype=jnp.int64))
    W_local = jax.random.normal(k3, (D, D), dtype=jnp.float32) * (1.0 / np.sqrt(D))
    b_local = jnp.zeros((D,), dtype=jnp.float32)
    W_global = jax.random.normal(k4, (D, D), dtype=jnp.float32) * (1.0 / np.sqrt(D))
    b_global = jnp.zeros((D,), dtype=jnp.float32)
    return {"x": x, "segment_ids": segment_ids, "W_local": W_local, "b_local": b_local, "W_global": W_global, "b_global": b_global}

def reference(x, segment_ids, W_local, b_local, W_global, b_global):
    # apply_nodes on 'n1': h_global = d_local(h)  (per-node MLP / Linear)
    h_global_nodes = x @ W_local + b_local
    # update_all with copy_src + sum pool over n1 -> g edges (one edge per node to its graph)
    h_global_g = jax.ops.segment_sum(h_global_nodes, segment_ids, num_segments=NUM_GRAPHS)
    # apply_nodes on 'g': out = d_global(h_global)
    out = h_global_g @ W_global + b_global
    return out

if __name__ == "__main__":
    import jax
    _d = setup_inputs()
    print(jax.jit(kernel)(*tuple(_d.values())))

</pallas_src>

<mosaic_0001>
#map = affine_map<(d0, d1) -> (0, 0)>
#map1 = affine_map<(d0, d1) -> (0)>
#map2 = affine_map<(d0, d1) -> (0, 0, 0)>
module attributes {stable_mosaic.version = 14 : i64} {
  func.func @_sc_segment_sum(%arg0: i32, %arg1: i32, %arg2: memref<100000x128xf32, #tpu.memory_space<hbm>>, %arg3: memref<100000xi32, #tpu.memory_space<hbm>>, %arg4: memref<72x128xf32, #tpu.memory_space<hbm>>, %arg5: memref<2x1024x128xf32, #tpu.memory_space<hbm>>, %arg6: memref<1152x128xf32, #tpu.memory_space<vmem_shared>>, %arg7: memref<4x128x128xf32, #tpu.memory_space<vmem>>, %arg8: memref<4x128xi32, #tpu.memory_space<vmem>>, %arg9: memref<!tpu.dma_semaphore, #tpu.memory_space<semaphore_mem>>, %arg10: memref<!tpu.dma_semaphore, #tpu.memory_space<semaphore_mem>>, %arg11: memref<!tpu.dma_semaphore, #tpu.memory_space<semaphore_mem>>, %arg12: memref<!tpu.dma_semaphore, #tpu.memory_space<semaphore_mem>>, %arg13: memref<!tpu.dma_semaphore, #tpu.memory_space<semaphore_mem>>, %arg14: memref<!tpu.dma_semaphore, #tpu.memory_space<semaphore_mem>>, %arg15: memref<!tpu.dma_semaphore, #tpu.memory_space<semaphore_mem>>, %arg16: memref<!tpu.dma_semaphore, #tpu.memory_space<semaphore_mem>>) attributes {dimension_semantics = [#tpu.dimension_semantics<core_parallel>, #tpu.dimension_semantics<subcore_parallel>], iteration_bounds = array<i64: 2, 16>, scalar_prefetch = 0 : i64, scratch_operands = 11 : i64, tpu.core_type = #tpu.core_type<sc_vector_subcore>, window_params = [{transform_indices = #map}, {transform_indices = #map1}, {transform_indices = #map}, {transform_indices = #map2}]} {
    %mul3A = arith.constant 2 : i32
    %mul3A_0 = arith.muli %arg1, %mul3A : i32
    %add3A = arith.addi %mul3A_0, %arg0 : i32
    %add3A_1 = arith.constant 0 : i32
    %add3A_2 = arith.addi %add3A, %add3A_1 : i32
    %lt3A = arith.constant 781 : i32
    %lt3A_3 = arith.cmpi slt, %add3A_2, %lt3A : i32
    %convert_element_type3A = arith.extui %lt3A_3 : i1 to i32
    %cond3A = arith.constant 0 : i32
    %cond3A_4 = arith.cmpi ne, %convert_element_type3A, %cond3A : i32
    scf.if %cond3A_4 {
      %mul3A_31 = arith.constant 128 : i32
      %mul3A_32 = arith.muli %add3A_2, %mul3A_31 : i32
      %dma_start3A = arith.constant 0 : i32
      %dma_start3A_33 = arith.constant 0 : i32
      %dma_start3A_34 = tpu.memref_slice %arg8[%dma_start3A, %dma_start3A_33] : memref<4x128xi32, #tpu.memory_space<vmem>> -> memref<1x128xi32, #tpu.memory_space<vmem>>
      %dma_start3A_35 = tpu.memref_squeeze %dma_start3A_34 : memref<1x128xi32, #tpu.memory_space<vmem>> -> memref<128xi32, #tpu.memory_space<vmem>>
      %dma_start3A_36 = tpu.memref_slice %arg3[%mul3A_32] : memref<100000xi32, #tpu.memory_space<hbm>> -> memref<128xi32, #tpu.memory_space<hbm>>
      %dma_start3A_37 = arith.constant 0 : i32
      %dma_start3A_38 = tpu.memref_slice %arg8[%dma_start3A, %dma_start3A_37] : memref<4x128xi32, #tpu.memory_space<vmem>> -> memref<1x128xi32, #tpu.memory_space<vmem>>
      %dma_start3A_39 = tpu.memref_squeeze %dma_start3A_38 : memref<1x128xi32, #tpu.memory_space<vmem>> -> memref<128xi32, #tpu.memory_space<vmem>>
      %dma_start3A_40 = tpu.memref_slice %arg3[%mul3A_32] : memref<100000xi32, #tpu.memory_space<hbm>> -> memref<128xi32, #tpu.memory_space<hbm>>
      tpu.enqueue_dma source(%dma_start3A_40 : memref<128xi32, #tpu.memory_space<hbm>>) target(%dma_start3A_39 : memref<128xi32, #tpu.memory_space<vmem>>) target_semaphore(%arg9 : memref<!tpu.dma_semaphore, #tpu.memory_space<semaphore_mem>>)
      %dma_start3A_41 = arith.constant 0 : i32
      %dma_start3A_42 = arith.constant 0 : i32
      %dma_start3A_43 = arith.constant 0 : i32
      %dma_start3A_44 = tpu.memref_slice %arg7[%dma_start3A_41, %dma_start3A_42, %dma_start3A_43] : memref<4x128x128xf32, #tpu.memory_space<vmem>> -> memref<1x128x128xf32, #tpu.memory_space<vmem>>
      %dma_start3A_45 = tpu.memref_squeeze %dma_start3A_44 : memref<1x128x128xf32, #tpu.memory_space<vmem>> -> memref<128x128xf32, #tpu.memory_space<vmem>>
      %dma_start3A_46 = arith.constant 0 : i32
      %dma_start3A_47 = tpu.memref_slice %arg2[%mul3A_32, %dma_start3A_46] : memref<100000x128xf32, #tpu.memory_space<hbm>> -> memref<128x128xf32, #tpu.memory_space<hbm>>
      %dma_start3A_48 = arith.constant 0 : i32
      %dma_start3A_49 = arith.constant 0 : i32
      %dma_start3A_50 = tpu.memref_slice %arg7[%dma_start3A_41, %dma_start3A_48, %dma_start3A_49] : memref<4x128x128xf32, #tpu.memory_space<vmem>> -> memref<1x128x128xf32, #tpu.memory_space<vmem>>
      %dma_start3A_51 = tpu.memref_squeeze %dma_start3A_50 : memref<1x128x128xf32, #tpu.memory_space<vmem>> -> memref<128x128xf32, #tpu.memory_space<vmem>>
      %dma_start3A_52 = arith.constant 0 : i32
      %dma_start3A_53 = tpu.memref_slice %arg2[%mul3A_32, %dma_start3A_52] : memref<100000x128xf32, #tpu.memory_space<hbm>> -> memref<128x128xf32, #tpu.memory_space<hbm>>
      tpu.enqueue_dma source(%dma_start3A_53 : memref<128x128xf32, #tpu.memory_space<hbm>>) target(%dma_start3A_51 : memref<128x128xf32, #tpu.memory_space<vmem>>) target_semaphore(%arg13 : memref<!tpu.dma_semaphore, #tpu.memory_space<semaphore_mem>>)
    } else {
    }
    %add3A_5 = arith.constant 32 : i32
    %add3A_6 = arith.addi %add3A, %add3A_5 : i32
    %lt3A_7 = arith.constant 781 : i32
    %lt3A_8 = arith.cmpi slt, %add3A_6, %lt3A_7 : i32
    %convert_element_type3A_9 = arith.extui %lt3A_8 : i1 to i32
    %cond3A_10 = arith.constant 0 : i32
    %cond3A_11 = arith.cmpi ne, %convert_element_type3A_9, %cond3A_10 : i32
    scf.if %cond3A_11 {
      %mul3A_31 = arith.constant 128 : i32
      %mul3A_32 = arith.muli %add3A_6, %mul3A_31 : i32
      %dma_start3A = arith.constant 1 : i32
      %dma_start3A_33 = arith.constant 0 : i32
      %dma_start3A_34 = tpu.memref_slice %arg8[%dma_start3A, %dma_start3A_33] : memref<4x128xi32, #tpu.memory_space<vmem>> -> memref<1x128xi32, #tpu.memory_space<vmem>>
      %dma_start3A_35 = tpu.memref_squeeze %dma_start3A_34 : memref<1x128xi32, #tpu.memory_space<vmem>> -> memref<128xi32, #tpu.memory_space<vmem>>
      %dma_start3A_36 = tpu.memref_slice %arg3[%mul3A_32] : memref<100000xi32, #tpu.memory_space<hbm>> -> memref<128xi32, #tpu.memory_space<hbm>>
      %dma_start3A_37 = arith.constant 0 : i32
      %dma_start3A_38 = tpu.memref_slice %arg8[%dma_start3A, %dma_start3A_37] : memref<4x128xi32, #tpu.memory_space<vmem>> -> memref<1x128xi32, #tpu.memory_space<vmem>>
      %dma_start3A_39 = tpu.memref_squeeze %dma_start3A_38 : memref<1x128xi32, #tpu.memory_space<vmem>> -> memref<128xi32, #tpu.memory_space<vmem>>
      %dma_start3A_40 = tpu.memref_slice %arg3[%mul3A_32] : memref<100000xi32, #tpu.memory_space<hbm>> -> memref<128xi32, #tpu.memory_space<hbm>>
      tpu.enqueue_dma source(%dma_start3A_40 : memref<128xi32, #tpu.memory_space<hbm>>) target(%dma_start3A_39 : memref<128xi32, #tpu.memory_space<vmem>>) target_semaphore(%arg10 : memref<!tpu.dma_semaphore, #tpu.memory_space<semaphore_mem>>)
      %dma_start3A_41 = arith.constant 1 : i32
      %dma_start3A_42 = arith.constant 0 : i32
      %dma_start3A_43 = arith.constant 0 : i32
      %dma_start3A_44 = tpu.memref_slice %arg7[%dma_start3A_41, %dma_start3A_42, %dma_start3A_43] : memref<4x128x128xf32, #tpu.memory_space<vmem>> -> memref<1x128x128xf32, #tpu.memory_space<vmem>>
      %dma_start3A_45 = tpu.memref_squeeze %dma_start3A_44 : memref<1x128x128xf32, #tpu.memory_space<vmem>> -> memref<128x128xf32, #tpu.memory_space<vmem>>
      %dma_start3A_46 = arith.constant 0 : i32
      %dma_start3A_47 = tpu.memref_slice %arg2[%mul3A_32, %dma_start3A_46] : memref<100000x128xf32, #tpu.memory_space<hbm>> -> memref<128x128xf32, #tpu.memory_space<hbm>>
      %dma_start3A_48 = arith.constant 0 : i32
      %dma_start3A_49 = arith.constant 0 : i32
      %dma_start3A_50 = tpu.memref_slice %arg7[%dma_start3A_41, %dma_start3A_48, %dma_start3A_49] : memref<4x128x128xf32, #tpu.memory_space<vmem>> -> memref<1x128x128xf32, #tpu.memory_space<vmem>>
      %dma_start3A_51 = tpu.memref_squeeze %dma_start3A_50 : memref<1x128x128xf32, #tpu.memory_space<vmem>> -> memref<128x128xf32, #tpu.memory_space<vmem>>
      %dma_start3A_52 = arith.constant 0 : i32
      %dma_start3A_53 = tpu.memref_slice %arg2[%mul3A_32, %dma_start3A_52] : memref<100000x128xf32, #tpu.memory_space<hbm>> -> memref<128x128xf32, #tpu.memory_space<hbm>>
      tpu.enqueue_dma source(%dma_start3A_53 : memref<128x128xf32, #tpu.memory_space<hbm>>) target(%dma_start3A_51 : memref<128x128xf32, #tpu.memory_space<vmem>>) target_semaphore(%arg14 : memref<!tpu.dma_semaphore, #tpu.memory_space<semaphore_mem>>)
    } else {
    }
    %add3A_12 = arith.constant 64 : i32
    %add3A_13 = arith.addi %add3A, %add3A_12 : i32
    %lt3A_14 = arith.constant 781 : i32
    %lt3A_15 = arith.cmpi slt, %add3A_13, %lt3A_14 : i32
    %convert_element_type3A_16 = arith.extui %lt3A_15 : i1 to i32
    %cond3A_17 = arith.constant 0 : i32
    %cond3A_18 = arith.cmpi ne, %convert_element_type3A_16, %cond3A_17 : i32
    scf.if %cond3A_18 {
      %mul3A_31 = arith.constant 128 : i32
      %mul3A_32 = arith.muli %add3A_13, %mul3A_31 : i32
      %dma_start3A = arith.constant 2 : i32
      %dma_start3A_33 = arith.constant 0 : i32
      %dma_start3A_34 = tpu.memref_slice %arg8[%dma_start3A, %dma_start3A_33] : memref<4x128xi32, #tpu.memory_space<vmem>> -> memref<1x128xi32, #tpu.memory_space<vmem>>
      %dma_start3A_35 = tpu.memref_squeeze %dma_start3A_34 : memref<1x128xi32, #tpu.memory_space<vmem>> -> memref<128xi32, #tpu.memory_space<vmem>>
      %dma_start3A_36 = tpu.memref_slice %arg3[%mul3A_32] : memref<100000xi32, #tpu.memory_space<hbm>> -> memref<128xi32, #tpu.memory_space<hbm>>
      %dma_start3A_37 = arith.constant 0 : i32
      %dma_start3A_38 = tpu.memref_slice %arg8[%dma_start3A, %dma_start3A_37] : memref<4x128xi32, #tpu.memory_space<vmem>> -> memref<1x128xi32, #tpu.memory_space<vmem>>
      %dma_start3A_39 = tpu.memref_squeeze %dma_start3A_38 : memref<1x128xi32, #tpu.memory_space<vmem>> -> memref<128xi32, #tpu.memory_space<vmem>>
      %dma_start3A_40 = tpu.memref_slice %arg3[%mul3A_32] : memref<100000xi32, #tpu.memory_space<hbm>> -> memref<128xi32, #tpu.memory_space<hbm>>
      tpu.enqueue_dma source(%dma_start3A_40 : memref<128xi32, #tpu.memory_space<hbm>>) target(%dma_start3A_39 : memref<128xi32, #tpu.memory_space<vmem>>) target_semaphore(%arg11 : memref<!tpu.dma_semaphore, #tpu.memory_space<semaphore_mem>>)
      %dma_start3A_41 = arith.constant 2 : i32
      %dma_start3A_42 = arith.constant 0 : i32
      %dma_start3A_43 = arith.constant 0 : i32
      %dma_start3A_44 = tpu.memref_slice %arg7[%dma_start3A_41, %dma_start3A_42, %dma_start3A_43] : memref<4x128x128xf32, #tpu.memory_space<vmem>> -> memref<1x128x128xf32, #tpu.memory_space<vmem>>
      %dma_start3A_45 = tpu.memref_squeeze %dma_start3A_44 : memref<1x128x128xf32, #tpu.memory_space<vmem>> -> memref<128x128xf32, #tpu.memory_space<vmem>>
      %dma_start3A_46 = arith.constant 0 : i32
      %dma_start3A_47 = tpu.memref_slice %arg2[%mul3A_32, %dma_start3A_46] : memref<100000x128xf32, #tpu.memory_space<hbm>> -> memref<128x128xf32, #tpu.memory_space<hbm>>
      %dma_start3A_48 = arith.constant 0 : i32
      %dma_start3A_49 = arith.constant 0 : i32
      %dma_start3A_50 = tpu.memref_slice %arg7[%dma_start3A_41, %dma_start3A_48, %dma_start3A_49] : memref<4x128x128xf32, #tpu.memory_space<vmem>> -> memref<1x128x128xf32, #tpu.memory_space<vmem>>
      %dma_start3A_51 = tpu.memref_squeeze %dma_start3A_50 : memref<1x128x128xf32, #tpu.memory_space<vmem>> -> memref<128x128xf32, #tpu.memory_space<vmem>>
      %dma_start3A_52 = arith.constant 0 : i32
      %dma_start3A_53 = tpu.memref_slice %arg2[%mul3A_32, %dma_start3A_52] : memref<100000x128xf32, #tpu.memory_space<hbm>> -> memref<128x128xf32, #tpu.memory_space<hbm>>
      tpu.enqueue_dma source(%dma_start3A_53 : memref<128x128xf32, #tpu.memory_space<hbm>>) target(%dma_start3A_51 : memref<128x128xf32, #tpu.memory_space<vmem>>) target_semaphore(%arg15 : memref<!tpu.dma_semaphore, #tpu.memory_space<semaphore_mem>>)
    } else {
    }
    %mul3A_19 = arith.constant 72 : i32
    %mul3A_20 = arith.muli %arg1, %mul3A_19 : i32
    "tpu.region"() ({
      %run_scoped3A = tpu.sem_alloc : memref<!tpu.dma_semaphore, #tpu.memory_space<semaphore_mem>>
      %dma_start3A = arith.constant 0 : i32
      %dma_start3A_31 = tpu.memref_slice %arg6[%mul3A_20, %dma_start3A] : memref<1152x128xf32, #tpu.memory_space<vmem_shared>> -> memref<72x128xf32, #tpu.memory_space<vmem_shared>>
      tpu.enqueue_dma source(%arg4 : memref<72x128xf32, #tpu.memory_space<hbm>>) target(%dma_start3A_31 : memref<72x128xf32, #tpu.memory_space<vmem_shared>>) target_semaphore(%run_scoped3A : memref<!tpu.dma_semaphore, #tpu.memory_space<semaphore_mem>>)
      %dma_wait3A = arith.constant 0 : i32
      %dma_wait3A_32 = tpu.memref_slice %arg6[%mul3A_20, %dma_wait3A] : memref<1152x128xf32, #tpu.memory_space<vmem_shared>> -> memref<72x128xf32, #tpu.memory_space<vmem_shared>>
      tpu.wait_dma2 semaphore(%run_scoped3A : memref<!tpu.dma_semaphore, #tpu.memory_space<semaphore_mem>>) src(%arg4 : memref<72x128xf32, #tpu.memory_space<hbm>>) dst(%dma_wait3A_32 : memref<72x128xf32, #tpu.memory_space<vmem_shared>>)
      tpu.yield
    }) : () -> ()
    %barrier3A = arith.constant 0 : index
    tpu.barrier barrier_id(%barrier3A)
    %scan3A = arith.constant 0 : i32
    %scan3A_21 = arith.constant 0 : i32
    %scan3A_22 = arith.constant 7 : i32
    %scan3A_23 = arith.addi %scan3A_21, %scan3A_22 : i32
    %scan3A_24 = arith.constant 1 : i32
    scf.for %scan3A_31 = %scan3A_21 to %scan3A_23 step %scan3A_24  : i32 {
      %mul3A_32 = arith.constant 4 : i32
      %mul3A_33 = arith.muli %mul3A_32, %scan3A_31 : i32
      %add3A_34 = arith.constant 0 : i32
      %add3A_35 = arith.addi %mul3A_33, %add3A_34 : i32
      %add3A_36 = arith.constant 3 : i32
      %add3A_37 = arith.addi %add3A_35, %add3A_36 : i32
      %mul3A_38 = arith.constant 32 : i32
      %mul3A_39 = arith.muli %add3A_37, %mul3A_38 : i32
      %add3A_40 = arith.addi %add3A, %mul3A_39 : i32
      %lt3A_41 = arith.constant 781 : i32
      %lt3A_42 = arith.cmpi slt, %add3A_40, %lt3A_41 : i32
      %convert_element_type3A_43 = arith.extui %lt3A_42 : i1 to i32
      %cond3A_44 = arith.constant 0 : i32
      %cond3A_45 = arith.cmpi ne, %convert_element_type3A_43, %cond3A_44 : i32
      scf.if %cond3A_45 {
        %mul3A_147 = arith.constant 128 : i32
        %mul3A_148 = arith.muli %add3A_40, %mul3A_147 : i32
        %dma_start3A = arith.constant 3 : i32
        %dma_start3A_149 = arith.constant 0 : i32
        %dma_start3A_150 = tpu.memref_slice %arg8[%dma_start3A, %dma_start3A_149] : memref<4x128xi32, #tpu.memory_space<vmem>> -> memref<1x128xi32, #tpu.memory_space<vmem>>
        %dma_start3A_151 = tpu.memref_squeeze %dma_start3A_150 : memref<1x128xi32, #tpu.memory_space<vmem>> -> memref<128xi32, #tpu.memory_space<vmem>>
        %dma_start3A_152 = tpu.memref_slice %arg3[%mul3A_148] : memref<100000xi32, #tpu.memory_space<hbm>> -> memref<128xi32, #tpu.memory_space<hbm>>
        %dma_start3A_153 = arith.constant 0 : i32
        %dma_start3A_154 = tpu.memref_slice %arg8[%dma_start3A, %dma_start3A_153] : memref<4x128xi32, #tpu.memory_space<vmem>> -> memref<1x128xi32, #tpu.memory_space<vmem>>
        %dma_start3A_155 = tpu.memref_squeeze %dma_start3A_154 : memref<1x128xi32, #tpu.memory_space<vmem>> -> memref<128xi32, #tpu.memory_space<vmem>>
        %dma_start3A_156 = tpu.memref_slice %arg3[%mul3A_148] : memref<100000xi32, #tpu.memory_space<hbm>> -> memref<128xi32, #tpu.memory_space<hbm>>
        tpu.enqueue_dma source(%dma_start3A_156 : memref<128xi32, #tpu.memory_space<hbm>>) target(%dma_start3A_155 : memref<128xi32, #tpu.memory_space<vmem>>) target_semaphore(%arg12 : memref<!tpu.dma_semaphore, #tpu.memory_space<semaphore_mem>>)
        %dma_start3A_157 = arith.constant 3 : i32
        %dma_start3A_158 = arith.constant 0 : i32
        %dma_start3A_159 = arith.constant 0 : i32
        %dma_start3A_160 = tpu.memref_slice %arg7[%dma_start3A_157, %dma_start3A_158, %dma_start3A_159] : memref<4x128x128xf32, #tpu.memory_space<vmem>> -> memref<1x128x128xf32, #tpu.memory_space<vmem>>
        %dma_start3A_161 = tpu.memref_squeeze %dma_start3A_160 : memref<1x128x128xf32, #tpu.memory_space<vmem>> -> memref<128x128xf32, #tpu.memory_space<vmem>>
        %dma_start3A_162 = arith.constant 0 : i32
        %dma_start3A_163 = tpu.memref_slice %arg2[%mul3A_148, %dma_start3A_162] : memref<100000x128xf32, #tpu.memory_space<hbm>> -> memref<128x128xf32, #tpu.memory_space<hbm>>
        %dma_start3A_164 = arith.constant 0 : i32
        %dma_start3A_165 = arith.constant 0 : i32
        %dma_start3A_166 = tpu.memref_slice %arg7[%dma_start3A_157, %dma_start3A_164, %dma_start3A_165] : memref<4x128x128xf32, #tpu.memory_space<vmem>> -> memref<1x128x128xf32, #tpu.memory_space<vmem>>
        %dma_start3A_167 = tpu.memref_squeeze %dma_start3A_166 : memref<1x128x128xf32, #tpu.memory_space<vmem>> -> memref<128x128xf32, #tpu.memory_space<vmem>>
        %dma_start3A_168 = arith.constant 0 : i32
        %dma_start3A_169 = tpu.memref_slice %arg2[%mul3A_148, %dma_start3A_168] : memref<100000x128xf32, #tpu.memory_space<hbm>> -> memref<128x128xf32, #tpu.memory_space<hbm>>
        tpu.enqueue_dma source(%dma_start3A_169 : memref<128x128xf32, #tpu.memory_space<hbm>>) target(%dma_start3A_167 : memref<128x128xf32, #tpu.memory_space<vmem>>) target_semaphore(%arg16 : memref<!tpu.dma_semaphore, #tpu.memory_space<semaphore_mem>>)
      } else {
      }
      %mul3A_46 = arith.constant 32 : i32
      %mul3A_47 = arith.muli %add3A_35, %mul3A_46 : i32
      %add3A_48 = arith.addi %add3A, %mul3A_47 : i32
      %mul3A_49 = arith.constant 128 : i32
      %mul3A_50 = arith.muli %add3A_48, %mul3A_49 : i32
      %lt3A_51 = arith.constant 781 : i32
      %lt3A_52 = arith.cmpi slt, %add3A_48, %lt3A_51 : i32
      %convert_element_type3A_53 = arith.extui %lt3A_52 : i1 to i32
      %cond3A_54 = arith.constant 0 : i32
      %cond3A_55 = arith.cmpi ne, %convert_element_type3A_53, %cond3A_54 : i32
      scf.if %cond3A_55 {
        %dma_wait3A = arith.constant 0 : i32
        %dma_wait3A_147 = arith.constant 0 : i32
        %dma_wait3A_148 = tpu.memref_slice %arg8[%dma_wait3A, %dma_wait3A_147] : memref<4x128xi32, #tpu.memory_space<vmem>> -> memref<1x128xi32, #tpu.memory_space<vmem>>
        %dma_wait3A_149 = tpu.memref_squeeze %dma_wait3A_148 : memref<1x128xi32, #tpu.memory_space<vmem>> -> memref<128xi32, #tpu.memory_space<vmem>>
        %dma_wait3A_150 = tpu.memref_slice %arg3[%mul3A_50] : memref<100000xi32, #tpu.memory_space<hbm>> -> memref<128xi32, #tpu.memory_space<hbm>>
        %dma_wait3A_151 = arith.constant 0 : i32
        %dma_wait3A_152 = tpu.memref_slice %arg8[%dma_wait3A, %dma_wait3A_151] : memref<4x128xi32, #tpu.memory_space<vmem>> -> memref<1x128xi32, #tpu.memory_space<vmem>>
        %dma_wait3A_153 = tpu.memref_squeeze %dma_wait3A_152 : memref<1x128xi32, #tpu.memory_space<vmem>> -> memref<128xi32, #tpu.memory_space<vmem>>
        %dma_wait3A_154 = tpu.memref_slice %arg3[%mul3A_50] : memref<100000xi32, #tpu.memory_space<hbm>> -> memref<128xi32, #tpu.memory_space<hbm>>
        tpu.wait_dma2 semaphore(%arg9 : memref<!tpu.dma_semaphore, #tpu.memory_space<semaphore_mem>>) src(%dma_wait3A_154 : memref<128xi32, #tpu.memory_space<hbm>>) dst(%dma_wait3A_153 : memref<128xi32, #tpu.memory_space<vmem>>)
        %dma_wait3A_155 = arith.constant 0 : i32
        %dma_wait3A_156 = arith.constant 0 : i32
        %dma_wait3A_157 = arith.constant 0 : i32
        %dma_wait3A_158 = tpu.memref_slice %arg7[%dma_wait3A_155, %dma_wait3A_156, %dma_wait3A_157] : memref<4x128x128xf32, #tpu.memory_space<vmem>> -> memref<1x128x128xf32, #tpu.memory_space<vmem>>
        %dma_wait3A_159 = tpu.memref_squeeze %dma_wait3A_158 : memref<1x128x128xf32, #tpu.memory_space<vmem>> -> memref<128x128xf32, #tpu.memory_space<vmem>>
        %dma_wait3A_160 = arith.constant 0 : i32
        %dma_wait3A_161 = tpu.memref_slice %arg2[%mul3A_50, %dma_wait3A_160] : memref<100000x128xf32, #tpu.memory_space<hbm>> -> memref<128x128xf32, #tpu.memory_space<hbm>>
        %dma_wait3A_162 = arith.constant 0 : i32
        %dma_wait3A_163 = arith.constant 0 : i32
        %dma_wait3A_164 = tpu.memref_slice %arg7[%dma_wait3A_155, %dma_wait3A_162, %dma_wait3A_163] : memref<4x128x128xf32, #tpu.memory_space<vmem>> -> memref<1x128x128xf32, #tpu.memory_space<vmem>>
        %dma_wait3A_165 = tpu.memref_squeeze %dma_wait3A_164 : memref<1x128x128xf32, #tpu.memory_space<vmem>> -> memref<128x128xf32, #tpu.memory_space<vmem>>
        %dma_wait3A_166 = arith.constant 0 : i32
        %dma_wait3A_167 = tpu.memref_slice %arg2[%mul3A_50, %dma_wait3A_166] : memref<100000x128xf32, #tpu.memory_space<hbm>> -> memref<128x128xf32, #tpu.memory_space<hbm>>
        tpu.wait_dma2 semaphore(%arg13 : memref<!tpu.dma_semaphore, #tpu.memory_space<semaphore_mem>>) src(%dma_wait3A_167 : memref<128x128xf32, #tpu.memory_space<hbm>>) dst(%dma_wait3A_165 : memref<128x128xf32, #tpu.memory_space<vmem>>)
        %run_scoped3A = arith.constant 0 : i32
        %run_scoped3A_168 = arith.constant 0 : i32
        "tpu.region"() ({
          %run_scoped3A_169 = tpu.sem_alloc : memref<!tpu.dma_semaphore, #tpu.memory_space<semaphore_mem>>
          %dma_start3A = arith.constant 0 : i32
          %dma_start3A_170 = arith.constant 0 : i32
          %dma_start3A_171 = tpu.memref_slice %arg7[%run_scoped3A, %dma_start3A, %dma_start3A_170] : memref<4x128x128xf32, #tpu.memory_space<vmem>> -> memref<1x128x128xf32, #tpu.memory_space<vmem>>
          %dma_start3A_172 = tpu.memref_squeeze %dma_start3A_171 : memref<1x128x128xf32, #tpu.memory_space<vmem>> -> memref<128x128xf32, #tpu.memory_space<vmem>>
          %dma_start3A_173 = arith.constant 0 : i32
          %dma_start3A_174 = tpu.memref_slice %arg8[%run_scoped3A_168, %dma_start3A_173] : memref<4x128xi32, #tpu.memory_space<vmem>> -> memref<1x128xi32, #tpu.memory_space<vmem>>
          %dma_start3A_175 = tpu.memref_squeeze %dma_start3A_174 : memref<1x128xi32, #tpu.memory_space<vmem>> -> memref<128xi32, #tpu.memory_space<vmem>>
          %dma_start3A_176 = arith.constant 0 : i32
          %dma_start3A_177 = arith.constant 0 : i32
          %dma_start3A_178 = tpu.memref_slice %arg6[%dma_start3A_176, %dma_start3A_177] : memref<1152x128xf32, #tpu.memory_space<vmem_shared>> -> memref<1152x128xf32, #tpu.memory_space<vmem_shared>>
          tpu.enqueue_indirect_dma source(%dma_start3A_172 : memref<128x128xf32, #tpu.memory_space<vmem>>) target(%dma_start3A_178 : memref<1152x128xf32, #tpu.memory_space<vmem_shared>>) offsets(%dma_start3A_175 : memref<128xi32, #tpu.memory_space<vmem>>) semaphore(%run_scoped3A_169 : memref<!tpu.dma_semaphore, #tpu.memory_space<semaphore_mem>>) {add = true}
          %dma_wait3A_179 = arith.constant 0 : i32
          %dma_wait3A_180 = arith.constant 0 : i32
          %dma_wait3A_181 = tpu.memref_slice %arg7[%run_scoped3A, %dma_wait3A_179, %dma_wait3A_180] : memref<4x128x128xf32, #tpu.memory_space<vmem>> -> memref<1x128x128xf32, #tpu.memory_space<vmem>>
          %dma_wait3A_182 = tpu.memref_squeeze %dma_wait3A_181 : memref<1x128x128xf32, #tpu.memory_space<vmem>> -> memref<128x128xf32, #tpu.memory_space<vmem>>
          %dma_wait3A_183 = arith.constant 0 : i32
          %dma_wait3A_184 = tpu.memref_slice %arg8[%run_scoped3A_168, %dma_wait3A_183] : memref<4x128xi32, #tpu.memory_space<vmem>> -> memref<1x128xi32, #tpu.memory_space<vmem>>
          %dma_wait3A_185 = tpu.memref_squeeze %dma_wait3A_184 : memref<1x128xi32, #tpu.memory_space<vmem>> -> memref<128xi32, #tpu.memory_space<vmem>>
          %dma_wait3A_186 = arith.constant 0 : i32
          %dma_wait3A_187 = arith.constant 0 : i32
          %dma_wait3A_188 = tpu.memref_slice %arg6[%dma_wait3A_186, %dma_wait3A_187] : memref<1152x128xf32, #tpu.memory_space<vmem_shared>> -> memref<1152x128xf32, #tpu.memory_space<vmem_shared>>
          tpu.wait_indirect_dma semaphore(%run_scoped3A_169 : memref<!tpu.dma_semaphore, #tpu.memory_space<semaphore_mem>>) src(%dma_wait3A_182 : memref<128x128xf32, #tpu.memory_space<vmem>>) dst(%dma_wait3A_188 : memref<1152x128xf32, #tpu.memory_space<vmem_shared>>)
          tpu.yield
        }) : () -> ()
      } else {
      }
      %eq3A = arith.constant 781 : i32
      %eq3A_56 = arith.cmpi eq, %add3A_48, %eq3A : i32
      %convert_element_type3A_57 = arith.extui %eq3A_56 : i1 to i32
      %cond3A_58 = arith.constant 0 : i32
      %cond3A_59 = arith.cmpi ne, %convert_element_type3A_57, %cond3A_58 : i32
      scf.if %cond3A_59 {
        %broadcast_in_dim3A = arith.constant 1024 : i32
        %broadcast_in_dim3A_147 = vector.broadcast %broadcast_in_dim3A : i32 to vector<16xi32>
        %swap3A = arith.constant 0 : i32
        %swap3A_148 = arith.index_cast %swap3A : i32 to index
        %swap3A_149 = arith.constant 32 : index
        %swap3A_150 = tpu.vector_load %arg8[%swap3A_148, %swap3A_149] {strides = array<i32>} : memref<4x128xi32, #tpu.memory_space<vmem>>, vector<1x16xi32>,
        %swap3A_151 = vector.shape_cast %swap3A_150 : vector<1x16xi32> to vector<16xi32>
        %swap3A_152 = vector.shape_cast %broadcast_in_dim3A_147 : vector<16xi32> to vector<1x16xi32>
        tpu.vector_store %arg8[%swap3A_148, %swap3A_149], %swap3A_152 {strides = array<i32>} : memref<4x128xi32, #tpu.memory_space<vmem>>, vector<1x16xi32>,
        %broadcast_in_dim3A_153 = arith.constant 1024 : i32
        %broadcast_in_dim3A_154 = vector.broadcast %broadcast_in_dim3A_153 : i32 to vector<16xi32>
        %swap3A_155 = arith.constant 0 : i32
        %swap3A_156 = arith.index_cast %swap3A_155 : i32 to index
        %swap3A_157 = arith.constant 48 : index
        %swap3A_158 = tpu.vector_load %arg8[%swap3A_156, %swap3A_157] {strides = array<i32>} : memref<4x128xi32, #tpu.memory_space<vmem>>, vector<1x16xi32>,
        %swap3A_159 = vector.shape_cast %swap3A_158 : vector<1x16xi32> to vector<16xi32>
        %swap3A_160 = vector.shape_cast %broadcast_in_dim3A_154 : vector<16xi32> to vector<1x16xi32>
        tpu.vector_store %arg8[%swap3A_156, %swap3A_157], %swap3A_160 {strides = array<i32>} : memref<4x128xi32, #tpu.memory_space<vmem>>, vector<1x16xi32>,
        %broadcast_in_dim3A_161 = arith.constant 1024 : i32
        %broadcast_in_dim3A_162 = vector.broadcast %broadcast_in_dim3A_161 : i32 to vector<16xi32>
        %swap3A_163 = arith.constant 0 : i32
        %swap3A_164 = arith.index_cast %swap3A_163 : i32 to index
        %swap3A_165 = arith.constant 64 : index
        %swap3A_166 = tpu.vector_load %arg8[%swap3A_164, %swap3A_165] {strides = array<i32>} : memref<4x128xi32, #tpu.memory_space<vmem>>, vector<1x16xi32>,
        %swap3A_167 = vector.shape_cast %swap3A_166 : vector<1x16xi32> to vector<16xi32>
        %swap3A_168 = vector.shape_cast %broadcast_in_dim3A_162 : vector<16xi32> to vector<1x16xi32>
        tpu.vector_store %arg8[%swap3A_164, %swap3A_165], %swap3A_168 {strides = array<i32>} : memref<4x128xi32, #tpu.memory_space<vmem>>, vector<1x16xi32>,
        %broadcast_in_dim3A_169 = arith.constant 1024 : i32
        %broadcast_in_dim3A_170 = vector.broadcast %broadcast_in_dim3A_169 : i32 to vector<16xi32>
        %swap3A_171 = arith.constant 0 : i32
        %swap3A_172 = arith.index_cast %swap3A_171 : i32 to index
        %swap3A_173 = arith.constant 80 : index
        %swap3A_174 = tpu.vector_load %arg8[%swap3A_172, %swap3A_173] {strides = array<i32>} : memref<4x128xi32, #tpu.memory_space<vmem>>, vector<1x16xi32>,
        %swap3A_175 = vector.shape_cast %swap3A_174 : vector<1x16xi32> to vector<16xi32>
        %swap3A_176 = vector.shape_cast %broadcast_in_dim3A_170 : vector<16xi32> to vector<1x16xi32>
        tpu.vector_store %arg8[%swap3A_172, %swap3A_173], %swap3A_176 {strides = array<i32>} : memref<4x128xi32, #tpu.memory_space<vmem>>, vector<1x16xi32>,
        %broadcast_in_dim3A_177 = arith.constant 1024 : i32
        %broadcast_in_dim3A_178 = vector.broadcast %broadcast_in_dim3A_177 : i32 to vector<16xi32>
        %swap3A_179 = arith.constant 0 : i32
        %swap3A_180 = arith.index_cast %swap3A_179 : i32 to index
        %swap3A_181 = arith.constant 96 : index
        %swap3A_182 = tpu.vector_load %arg8[%swap3A_180, %swap3A_181] {strides = array<i32>} : memref<4x128xi32, #tpu.memory_space<vmem>>, vector<1x16xi32>,
        %swap3A_183 = vector.shape_cast %swap3A_182 : vector<1x16xi32> to vector<16xi32>
        %swap3A_184 = vector.shape_cast %broadcast_in_dim3A_178 : vector<16xi32> to vector<1x16xi32>
        tpu.vector_store %arg8[%swap3A_180, %swap3A_181], %swap3A_184 {strides = array<i32>} : memref<4x128xi32, #tpu.memory_space<vmem>>, vector<1x16xi32>,
        %broadcast_in_dim3A_185 = arith.constant 1024 : i32
        %broadcast_in_dim3A_186 = vector.broadcast %broadcast_in_dim3A_185 : i32 to vector<16xi32>
        %swap3A_187 = arith.constant 0 : i32
        %swap3A_188 = arith.index_cast %swap3A_187 : i32 to index
        %swap3A_189 = arith.constant 112 : index
        %swap3A_190 = tpu.vector_load %arg8[%swap3A_188, %swap3A_189] {strides = array<i32>} : memref<4x128xi32, #tpu.memory_space<vmem>>, vector<1x16xi32>,
        %swap3A_191 = vector.shape_cast %swap3A_190 : vector<1x16xi32> to vector<16xi32>
        %swap3A_192 = vector.shape_cast %broadcast_in_dim3A_186 : vector<16xi32> to vector<1x16xi32>
        tpu.vector_store %arg8[%swap3A_188, %swap3A_189], %swap3A_192 {strides = array<i32>} : memref<4x128xi32, #tpu.memory_space<vmem>>, vector<1x16xi32>,
        %run_scoped3A = arith.constant 0 : i32
        "tpu.region"() ({
          %run_scoped3A_196 = tpu.sem_alloc : memref<!tpu.dma_semaphore, #tpu.memory_space<semaphore_mem>>
          %dma_start3A = arith.constant 0 : i32
          %dma_start3A_197 = tpu.memref_slice %arg8[%run_scoped3A, %dma_start3A] : memref<4x128xi32, #tpu.memory_space<vmem>> -> memref<1x32xi32, #tpu.memory_space<vmem>>
          %dma_start3A_198 = tpu.memref_squeeze %dma_start3A_197 : memref<1x32xi32, #tpu.memory_space<vmem>> -> memref<32xi32, #tpu.memory_space<vmem>>
          %dma_start3A_199 = tpu.memref_slice %arg3[%mul3A_50] : memref<100000xi32, #tpu.memory_space<hbm>> -> memref<32xi32, #tpu.memory_space<hbm>>
          %dma_start3A_200 = arith.constant 0 : i32
          %dma_start3A_201 = tpu.memref_slice %arg8[%run_scoped3A, %dma_start3A_200] : memref<4x128xi32, #tpu.memory_space<vmem>> -> memref<1x32xi32, #tpu.memory_space<vmem>>
          %dma_start3A_202 = tpu.memref_squeeze %dma_start3A_201 : memref<1x32xi32, #tpu.memory_space<vmem>> -> memref<32xi32, #tpu.memory_space<vmem>>
          %dma_start3A_203 = tpu.memref_slice %arg3[%mul3A_50] : memref<100000xi32, #tpu.memory_space<hbm>> -> memref<32xi32, #tpu.memory_space<hbm>>
          tpu.enqueue_dma source(%dma_start3A_203 : memref<32xi32, #tpu.memory_space<hbm>>) target(%dma_start3A_202 : memref<32xi32, #tpu.memory_space<vmem>>) target_semaphore(%run_scoped3A_196 : memref<!tpu.dma_semaphore, #tpu.memory_space<semaphore_mem>>)
          %dma_wait3A = arith.constant 0 : i32
          %dma_wait3A_204 = tpu.memref_slice %arg8[%run_scoped3A, %dma_wait3A] : memref<4x128xi32, #tpu.memory_space<vmem>> -> memref<1x32xi32, #tpu.memory_space<vmem>>
          %dma_wait3A_205 = tpu.memref_squeeze %dma_wait3A_204 : memref<1x32xi32, #tpu.memory_space<vmem>> -> memref<32xi32, #tpu.memory_space<vmem>>
          %dma_wait3A_206 = tpu.memref_slice %arg3[%mul3A_50] : memref<100000xi32, #tpu.memory_space<hbm>> -> memref<32xi32, #tpu.memory_space<hbm>>
          %dma_wait3A_207 = arith.constant 0 : i32
          %dma_wait3A_208 = tpu.memref_slice %arg8[%run_scoped3A, %dma_wait3A_207] : memref<4x128xi32, #tpu.memory_space<vmem>> -> memref<1x32xi32, #tpu.memory_space<vmem>>
          %dma_wait3A_209 = tpu.memref_squeeze %dma_wait3A_208 : memref<1x32xi32, #tpu.memory_space<vmem>> -> memref<32xi32, #tpu.memory_space<vmem>>
          %dma_wait3A_210 = tpu.memref_slice %arg3[%mul3A_50] : memref<100000xi32, #tpu.memory_space<hbm>> -> memref<32xi32, #tpu.memory_space<hbm>>
          tpu.wait_dma2 semaphore(%run_scoped3A_196 : memref<!tpu.dma_semaphore, #tpu.memory_space<semaphore_mem>>) src(%dma_wait3A_210 : memref<32xi32, #tpu.memory_space<hbm>>) dst(%dma_wait3A_209 : memref<32xi32, #tpu.memory_space<vmem>>)
          tpu.yield
        }) : () -> ()
        %run_scoped3A_193 = arith.constant 0 : i32
        "tpu.region"() ({
          %run_scoped3A_196 = tpu.sem_alloc : memref<!tpu.dma_semaphore, #tpu.memory_space<semaphore_mem>>
          %dma_start3A = arith.constant 0 : i32
          %dma_start3A_197 = arith.constant 0 : i32
          %dma_start3A_198 = tpu.memref_slice %arg7[%run_scoped3A_193, %dma_start3A, %dma_start3A_197] : memref<4x128x128xf32, #tpu.memory_space<vmem>> -> memref<1x32x128xf32, #tpu.memory_space<vmem>>
          %dma_start3A_199 = tpu.memref_squeeze %dma_start3A_198 : memref<1x32x128xf32, #tpu.memory_space<vmem>> -> memref<32x128xf32, #tpu.memory_space<vmem>>
          %dma_start3A_200 = arith.constant 0 : i32
          %dma_start3A_201 = tpu.memref_slice %arg2[%mul3A_50, %dma_start3A_200] : memref<100000x128xf32, #tpu.memory_space<hbm>> -> memref<32x128xf32, #tpu.memory_space<hbm>>
          %dma_start3A_202 = arith.constant 0 : i32
          %dma_start3A_203 = arith.constant 0 : i32
          %dma_start3A_204 = tpu.memref_slice %arg7[%run_scoped3A_193, %dma_start3A_202, %dma_start3A_203] : memref<4x128x128xf32, #tpu.memory_space<vmem>> -> memref<1x32x128xf32, #tpu.memory_space<vmem>>
          %dma_start3A_205 = tpu.memref_squeeze %dma_start3A_204 : memref<1x32x128xf32, #tpu.memory_space<vmem>> -> memref<32x128xf32, #tpu.memory_space<vmem>>
          %dma_start3A_206 = arith.constant 0 : i32
          %dma_start3A_207 = tpu.memref_slice %arg2[%mul3A_50, %dma_start3A_206] : memref<100000x128xf32, #tpu.memory_space<hbm>> -> memref<32x128xf32, #tpu.memory_space<hbm>>
          tpu.enqueue_dma source(%dma_start3A_207 : memref<32x128xf32, #tpu.memory_space<hbm>>) target(%dma_start3A_205 : memref<32x128xf32, #tpu.memory_space<vmem>>) target_semaphore(%run_scoped3A_196 : memref<!tpu.dma_semaphore, #tpu.memory_space<semaphore_mem>>)
          %dma_wait3A = arith.constant 0 : i32
          %dma_wait3A_208 = arith.constant 0 : i32
          %dma_wait3A_209 = tpu.memref_slice %arg7[%run_scoped3A_193, %dma_wait3A, %dma_wait3A_208] : memref<4x128x128xf32, #tpu.memory_space<vmem>> -> memref<1x32x128xf32, #tpu.memory_space<vmem>>
          %dma_wait3A_210 = tpu.memref_squeeze %dma_wait3A_209 : memref<1x32x128xf32, #tpu.memory_space<vmem>> -> memref<32x128xf32, #tpu.memory_space<vmem>>
          %dma_wait3A_211 = arith.constant 0 : i32
          %dma_wait3A_212 = tpu.memref_slice %arg2[%mul3A_50, %dma_wait3A_211] : memref<100000x128xf32, #tpu.memory_space<hbm>> -> memref<32x128xf32, #tpu.memory_space<hbm>>
          %dma_wait3A_213 = arith.constant 0 : i32
          %dma_wait3A_214 = arith.constant 0 : i32
          %dma_wait3A_215 = tpu.memref_slice %arg7[%run_scoped3A_193, %dma_wait3A_213, %dma_wait3A_214] : memref<4x128x128xf32, #tpu.memory_space<vmem>> -> memref<1x32x128xf32, #tpu.memory_space<vmem>>
          %dma_wait3A_216 = tpu.memref_squeeze %dma_wait3A_215 : memref<1x32x128xf32, #tpu.memory_space<vmem>> -> memref<32x128xf32, #tpu.memory_space<vmem>>
          %dma_wait3A_217 = arith.constant 0 : i32
          %dma_wait3A_218 = tpu.memref_slice %arg2[%mul3A_50, %dma_wait3A_217] : memref<100000x128xf32, #tpu.memory_space<hbm>> -> memref<32x128xf32, #tpu.memory_space<hbm>>
          tpu.wait_dma2 semaphore(%run_scoped3A_196 : memref<!tpu.dma_semaphore, #tpu.memory_space<semaphore_mem>>) src(%dma_wait3A_218 : memref<32x128xf32, #tpu.memory_space<hbm>>) dst(%dma_wait3A_216 : memref<32x128xf32, #tpu.memory_space<vmem>>)
          tpu.yield
        }) : () -> ()
        %run_scoped3A_194 = arith.constant 0 : i32
        %run_scoped3A_195 = arith.constant 0 : i32
        "tpu.region"() ({
          %run_scoped3A_196 = tpu.sem_alloc : memref<!tpu.dma_semaphore, #tpu.memory_space<semaphore_mem>>
          %dma_start3A = arith.constant 0 : i32
          %dma_start3A_197 = arith.constant 0 : i32
          %dma_start3A_198 = tpu.memref_slice %arg7[%run_scoped3A_194, %dma_start3A, %dma_start3A_197] : memref<4x128x128xf32, #tpu.memory_space<vmem>> -> memref<1x128x128xf32, #tpu.memory_space<vmem>>
          %dma_start3A_199 = tpu.memref_squeeze %dma_start3A_198 : memref<1x128x128xf32, #tpu.memory_space<vmem>> -> memref<128x128xf32, #tpu.memory_space<vmem>>
          %dma_start3A_200 = arith.constant 0 : i32
          %dma_start3A_201 = tpu.memref_slice %arg8[%run_scoped3A_195, %dma_start3A_200] : memref<4x128xi32, #tpu.memory_space<vmem>> -> memref<1x128xi32, #tpu.memory_space<vmem>>
          %dma_start3A_202 = tpu.memref_squeeze %dma_start3A_201 : memref<1x128xi32, #tpu.memory_space<vmem>> -> memref<128xi32, #tpu.memory_space<vmem>>
          %dma_start3A_203 = arith.constant 0 : i32
          %dma_start3A_204 = arith.constant 0 : i32
          %dma_start3A_205 = tpu.memref_slice %arg6[%dma_start3A_203, %dma_start3A_204] : memref<1152x128xf32, #tpu.memory_space<vmem_shared>> -> memref<1152x128xf32, #tpu.memory_space<vmem_shared>>
          tpu.enqueue_indirect_dma source(%dma_start3A_199 : memref<128x128xf32, #tpu.memory_space<vmem>>) target(%dma_start3A_205 : memref<1152x128xf32, #tpu.memory_space<vmem_shared>>) offsets(%dma_start3A_202 : memref<128xi32, #tpu.memory_space<vmem>>) semaphore(%run_scoped3A_196 : memref<!tpu.dma_semaphore, #tpu.memory_space<semaphore_mem>>) {add = true}
          %dma_wait3A = arith.constant 0 : i32
          %dma_wait3A_206 = arith.constant 0 : i32
          %dma_wait3A_207 = tpu.memref_slice %arg7[%run_scoped3A_194, %dma_wait3A, %dma_wait3A_206] : memref<4x128x128xf32, #tpu.memory_space<vmem>> -> memref<1x128x128xf32, #tpu.memory_space<vmem>>
          %dma_wait3A_208 = tpu.memref_squeeze %dma_wait3A_207 : memref<1x128x128xf32, #tpu.memory_space<vmem>> -> memref<128x128xf32, #tpu.memory_space<vmem>>
          %dma_wait3A_209 = arith.constant 0 : i32
          %dma_wait3A_210 = tpu.memref_slice %arg8[%run_scoped3A_195, %dma_wait3A_209] : memref<4x128xi32, #tpu.memory_space<vmem>> -> memref<1x128xi32, #tpu.memory_space<vmem>>
          %dma_wait3A_211 = tpu.memref_squeeze %dma_wait3A_210 : memref<1x128xi32, #tpu.memory_space<vmem>> -> memref<128xi32, #tpu.memory_space<vmem>>
          %dma_wait3A_212 = arith.constant 0 : i32
          %dma_wait3A_213 = arith.constant 0 : i32
          %dma_wait3A_214 = tpu.memref_slice %arg6[%dma_wait3A_212, %dma_wait3A_213] : memref<1152x128xf32, #tpu.memory_space<vmem_shared>> -> memref<1152x128xf32, #tpu.memory_space<vmem_shared>>
          tpu.wait_indirect_dma semaphore(%run_scoped3A_196 : memref<!tpu.dma_semaphore, #tpu.memory_space<semaphore_mem>>) src(%dma_wait3A_208 : memref<128x128xf32, #tpu.memory_space<vmem>>) dst(%dma_wait3A_214 : memref<1152x128xf32, #tpu.memory_space<vmem_shared>>)
          tpu.yield
        }) : () -> ()
      } else {
      }
      %mul3A_60 = arith.constant 4 : i32
      %mul3A_61 = arith.muli %mul3A_60, %scan3A_31 : i32
      %add3A_62 = arith.constant 1 : i32
      %add3A_63 = arith.addi %mul3A_61, %add3A_62 : i32
      %add3A_64 = arith.constant 3 : i32
      %add3A_65 = arith.addi %add3A_63, %add3A_64 : i32
      %mul3A_66 = arith.constant 32 : i32
      %mul3A_67 = arith.muli %add3A_65, %mul3A_66 : i32
      %add3A_68 = arith.addi %add3A, %mul3A_67 : i32
      %lt3A_69 = arith.constant 781 : i32
      %lt3A_70 = arith.cmpi slt, %add3A_68, %lt3A_69 : i32
      %convert_element_type3A_71 = arith.extui %lt3A_70 : i1 to i32
      %cond3A_72 = arith.constant 0 : i32
      %cond3A_73 = arith.cmpi ne, %convert_element_type3A_71, %cond3A_72 : i32
      scf.if %cond3A_73 {
        %mul3A_147 = arith.constant 128 : i32
        %mul3A_148 = arith.muli %add3A_68, %mul3A_147 : i32
        %dma_start3A = arith.constant 0 : i32
        %dma_start3A_149 = arith.constant 0 : i32
        %dma_start3A_150 = tpu.memref_slice %arg8[%dma_start3A, %dma_start3A_149] : memref<4x128xi32, #tpu.memory_space<vmem>> -> memref<1x128xi32, #tpu.memory_space<vmem>>
        %dma_start3A_151 = tpu.memref_squeeze %dma_start3A_150 : memref<1x128xi32, #tpu.memory_space<vmem>> -> memref<128xi32, #tpu.memory_space<vmem>>
        %dma_start3A_152 = tpu.memref_slice %arg3[%mul3A_148] : memref<100000xi32, #tpu.memory_space<hbm>> -> memref<128xi32, #tpu.memory_space<hbm>>
        %dma_start3A_153 = arith.constant 0 : i32
        %dma_start3A_154 = tpu.memref_slice %arg8[%dma_start3A, %dma_start3A_153] : memref<4x128xi32, #tpu.memory_space<vmem>> -> memref<1x128xi32, #tpu.memory_space<vmem>>
        %dma_start3A_155 = tpu.memref_squeeze %dma_start3A_154 : memref<1x128xi32, #tpu.memory_space<vmem>> -> memref<128xi32, #tpu.memory_space<vmem>>
        %dma_start3A_156 = tpu.memref_slice %arg3[%mul3A_148] : memref<100000xi32, #tpu.memory_space<hbm>> -> memref<128xi32, #tpu.memory_space<hbm>>
        tpu.enqueue_dma source(%dma_start3A_156 : memref<128xi32, #tpu.memory_space<hbm>>) target(%dma_start3A_155 : memref<128xi32, #tpu.memory_space<vmem>>) target_semaphore(%arg9 : memref<!tpu.dma_semaphore, #tpu.memory_space<semaphore_mem>>)
        %dma_start3A_157 = arith.constant 0 : i32
        %dma_start3A_158 = arith.constant 0 : i32
        %dma_start3A_159 = arith.constant 0 : i32
        %dma_start3A_160 = tpu.memref_slice %arg7[%dma_start3A_157, %dma_start3A_158, %dma_start3A_159] : memref<4x128x128xf32, #tpu.memory_space<vmem>> -> memref<1x128x128xf32, #tpu.memory_space<vmem>>
        %dma_start3A_161 = tpu.memref_squeeze %dma_start3A_160 : memref<1x128x128xf32, #tpu.memory_space<vmem>> -> memref<128x128xf32, #tpu.memory_space<vmem>>
        %dma_start3A_162 = arith.constant 0 : i32
        %dma_start3A_163 = tpu.memref_slice %arg2[%mul3A_148, %dma_start3A_162] : memref<100000x128xf32, #tpu.memory_space<hbm>> -> memref<128x128xf32, #tpu.memory_space<hbm>>
        %dma_start3A_164 = arith.constant 0 : i32
        %dma_start3A_165 = arith.constant 0 : i32
        %dma_start3A_166 = tpu.memref_slice %arg7[%dma_start3A_157, %dma_start3A_164, %dma_start3A_165] : memref<4x128x128xf32, #tpu.memory_space<vmem>> -> memref<1x128x128xf32, #tpu.memory_space<vmem>>
        %dma_start3A_167 = tpu.memref_squeeze %dma_start3A_166 : memref<1x128x128xf32, #tpu.memory_space<vmem>> -> memref<128x128xf32, #tpu.memory_space<vmem>>
        %dma_start3A_168 = arith.constant 0 : i32
        %dma_start3A_169 = tpu.memref_slice %arg2[%mul3A_148, %dma_start3A_168] : memref<100000x128xf32, #tpu.memory_space<hbm>> -> memref<128x128xf32, #tpu.memory_space<hbm>>
        tpu.enqueue_dma source(%dma_start3A_169 : memref<128x128xf32, #tpu.memory_space<hbm>>) target(%dma_start3A_167 : memref<128x128xf32, #tpu.memory_space<vmem>>) target_semaphore(%arg13 : memref<!tpu.dma_semaphore, #tpu.memory_space<semaphore_mem>>)
      } else {
      }
      %mul3A_74 = arith.constant 32 : i32
      %mul3A_75 = arith.muli %add3A_63, %mul3A_74 : i32
      %add3A_76 = arith.addi %add3A, %mul3A_75 : i32
      %mul3A_77 = arith.constant 128 : i32
      %mul3A_78 = arith.muli %add3A_76, %mul3A_77 : i32
      %lt3A_79 = arith.constant 781 : i32
      %lt3A_80 = arith.cmpi slt, %add3A_76, %lt3A_79 : i32
      %convert_element_type3A_81 = arith.extui %lt3A_80 : i1 to i32
      %cond3A_82 = arith.constant 0 : i32
      %cond3A_83 = arith.cmpi ne, %convert_element_type3A_81, %cond3A_82 : i32
      scf.if %cond3A_83 {
        %dma_wait3A = arith.constant 1 : i32
        %dma_wait3A_147 = arith.constant 0 : i32
        %dma_wait3A_148 = tpu.memref_slice %arg8[%dma_wait3A, %dma_wait3A_147] : memref<4x128xi32, #tpu.memory_space<vmem>> -> memref<1x128xi32, #tpu.memory_space<vmem>>
        %dma_wait3A_149 = tpu.memref_squeeze %dma_wait3A_148 : memref<1x128xi32, #tpu.memory_space<vmem>> -> memref<128xi32, #tpu.memory_space<vmem>>
        %dma_wait3A_150 = tpu.memref_slice %arg3[%mul3A_78] : memref<100000xi32, #tpu.memory_space<hbm>> -> memref<128xi32, #tpu.memory_space<hbm>>
        %dma_wait3A_151 = arith.constant 0 : i32
        %dma_wait3A_152 = tpu.memref_slice %arg8[%dma_wait3A, %dma_wait3A_151] : memref<4x128xi32, #tpu.memory_space<vmem>> -> memref<1x128xi32, #tpu.memory_space<vmem>>
        %dma_wait3A_153 = tpu.memref_squeeze %dma_wait3A_152 : memref<1x128xi32, #tpu.memory_space<vmem>> -> memref<128xi32, #tpu.memory_space<vmem>>
        %dma_wait3A_154 = tpu.memref_slice %arg3[%mul3A_78] : memref<100000xi32, #tpu.memory_space<hbm>> -> memref<128xi32, #tpu.memory_space<hbm>>
        tpu.wait_dma2 semaphore(%arg10 : memref<!tpu.dma_semaphore, #tpu.memory_space<semaphore_mem>>) src(%dma_wait3A_154 : memref<128xi32, #tpu.memory_space<hbm>>) dst(%dma_wait3A_153 : memref<128xi32, #tpu.memory_space<vmem>>)
        %dma_wait3A_155 = arith.constant 1 : i32
        %dma_wait3A_156 = arith.constant 0 : i32
        %dma_wait3A_157 = arith.constant 0 : i32
        %dma_wait3A_158 = tpu.memref_slice %arg7[%dma_wait3A_155, %dma_wait3A_156, %dma_wait3A_157] : memref<4x128x128xf32, #tpu.memory_space<vmem>> -> memref<1x128x128xf32, #tpu.memory_space<vmem>>
        %dma_wait3A_159 = tpu.memref_squeeze %dma_wait3A_158 : memref<1x128x128xf32, #tpu.memory_space<vmem>> -> memref<128x128xf32, #tpu.memory_space<vmem>>
        %dma_wait3A_160 = arith.constant 0 : i32
        %dma_wait3A_161 = tpu.memref_slice %arg2[%mul3A_78, %dma_wait3A_160] : memref<100000x128xf32, #tpu.memory_space<hbm>> -> memref<128x128xf32, #tpu.memory_space<hbm>>
        %dma_wait3A_162 = arith.constant 0 : i32
        %dma_wait3A_163 = arith.constant 0 : i32
        %dma_wait3A_164 = tpu.memref_slice %arg7[%dma_wait3A_155, %dma_wait3A_162, %dma_wait3A_163] : memref<4x128x128xf32, #tpu.memory_space<vmem>> -> memref<1x128x128xf32, #tpu.memory_space<vmem>>
        %dma_wait3A_165 = tpu.memref_squeeze %dma_wait3A_164 : memref<1x128x128xf32, #tpu.memory_space<vmem>> -> memref<128x128xf32, #tpu.memory_space<vmem>>
        %dma_wait3A_166 = arith.constant 0 : i32
        %dma_wait3A_167 = tpu.memref_slice %arg2[%mul3A_78, %dma_wait3A_166] : memref<100000x128xf32, #tpu.memory_space<hbm>> -> memref<128x128xf32, #tpu.memory_space<hbm>>
        tpu.wait_dma2 semaphore(%arg14 : memref<!tpu.dma_semaphore, #tpu.memory_space<semaphore_mem>>) src(%dma_wait3A_167 : memref<128x128xf32, #tpu.memory_space<hbm>>) dst(%dma_wait3A_165 : memref<128x128xf32, #tpu.memory_space<vmem>>)
        %run_scoped3A = arith.constant 1 : i32
        %run_scoped3A_168 = arith.constant 1 : i32
        "tpu.region"() ({
          %run_scoped3A_169 = tpu.sem_alloc : memref<!tpu.dma_semaphore, #tpu.memory_space<semaphore_mem>>
          %dma_start3A = arith.constant 0 : i32
          %dma_start3A_170 = arith.constant 0 : i32
          %dma_start3A_171 = tpu.memref_slice %arg7[%run_scoped3A, %dma_start3A, %dma_start3A_170] : memref<4x128x128xf32, #tpu.memory_space<vmem>> -> memref<1x128x128xf32, #tpu.memory_space<vmem>>
          %dma_start3A_172 = tpu.memref_squeeze %dma_start3A_171 : memref<1x128x128xf32, #tpu.memory_space<vmem>> -> memref<128x128xf32, #tpu.memory_space<vmem>>
          %dma_start3A_173 = arith.constant 0 : i32
          %dma_start3A_174 = tpu.memref_slice %arg8[%run_scoped3A_168, %dma_start3A_173] : memref<4x128xi32, #tpu.memory_space<vmem>> -> memref<1x128xi32, #tpu.memory_space<vmem>>
          %dma_start3A_175 = tpu.memref_squeeze %dma_start3A_174 : memref<1x128xi32, #tpu.memory_space<vmem>> -> memref<128xi32, #tpu.memory_space<vmem>>
          %dma_start3A_176 = arith.constant 0 : i32
          %dma_start3A_177 = arith.constant 0 : i32
          %dma_start3A_178 = tpu.memref_slice %arg6[%dma_start3A_176, %dma_start3A_177] : memref<1152x128xf32, #tpu.memory_space<vmem_shared>> -> memref<1152x128xf32, #tpu.memory_space<vmem_shared>>
          tpu.enqueue_indirect_dma source(%dma_start3A_172 : memref<128x128xf32, #tpu.memory_space<vmem>>) target(%dma_start3A_178 : memref<1152x128xf32, #tpu.memory_space<vmem_shared>>) offsets(%dma_start3A_175 : memref<128xi32, #tpu.memory_space<vmem>>) semaphore(%run_scoped3A_169 : memref<!tpu.dma_semaphore, #tpu.memory_space<semaphore_mem>>) {add = true}
          %dma_wait3A_179 = arith.constant 0 : i32
          %dma_wait3A_180 = arith.constant 0 : i32
          %dma_wait3A_181 = tpu.memref_slice %arg7[%run_scoped3A, %dma_wait3A_179, %dma_wait3A_180] : memref<4x128x128xf32, #tpu.memory_space<vmem>> -> memref<1x128x128xf32, #tpu.memory_space<vmem>>
          %dma_wait3A_182 = tpu.memref_squeeze %dma_wait3A_181 : memref<1x128x128xf32, #tpu.memory_space<vmem>> -> memref<128x128xf32, #tpu.memory_space<vmem>>
          %dma_wait3A_183 = arith.constant 0 : i32
          %dma_wait3A_184 = tpu.memref_slice %arg8[%run_scoped3A_168, %dma_wait3A_183] : memref<4x128xi32, #tpu.memory_space<vmem>> -> memref<1x128xi32, #tpu.memory_space<vmem>>
          %dma_wait3A_185 = tpu.memref_squeeze %dma_wait3A_184 : memref<1x128xi32, #tpu.memory_space<vmem>> -> memref<128xi32, #tpu.memory_space<vmem>>
          %dma_wait3A_186 = arith.constant 0 : i32
          %dma_wait3A_187 = arith.constant 0 : i32
          %dma_wait3A_188 = tpu.memref_slice %arg6[%dma_wait3A_186, %dma_wait3A_187] : memref<1152x128xf32, #tpu.memory_space<vmem_shared>> -> memref<1152x128xf32, #tpu.memory_space<vmem_shared>>
          tpu.wait_indirect_dma semaphore(%run_scoped3A_169 : memref<!tpu.dma_semaphore, #tpu.memory_space<semaphore_mem>>) src(%dma_wait3A_182 : memref<128x128xf32, #tpu.memory_space<vmem>>) dst(%dma_wait3A_188 : memref<1152x128xf32, #tpu.memory_space<vmem_shared>>)
          tpu.yield
        }) : () -> ()
      } else {
      }
      %eq3A_84 = arith.constant 781 : i32
      %eq3A_85 = arith.cmpi eq, %add3A_76, %eq3A_84 : i32
      %convert_element_type3A_86 = arith.extui %eq3A_85 : i1 to i32
      %cond3A_87 = arith.constant 0 : i32
      %cond3A_88 = arith.cmpi ne, %convert_element_type3A_86, %cond3A_87 : i32
      scf.if %cond3A_88 {
        %broadcast_in_dim3A = arith.constant 1024 : i32
        %broadcast_in_dim3A_147 = vector.broadcast %broadcast_in_dim3A : i32 to vector<16xi32>
        %swap3A = arith.constant 1 : i32
        %swap3A_148 = arith.index_cast %swap3A : i32 to index
        %swap3A_149 = arith.constant 32 : index
        %swap3A_150 = tpu.vector_load %arg8[%swap3A_148, %swap3A_149] {strides = array<i32>} : memref<4x128xi32, #tpu.memory_space<vmem>>, vector<1x16xi32>,
        %swap3A_151 = vector.shape_cast %swap3A_150 : vector<1x16xi32> to vector<16xi32>
        %swap3A_152 = vector.shape_cast %broadcast_in_dim3A_147 : vector<16xi32> to vector<1x16xi32>
        tpu.vector_store %arg8[%swap3A_148, %swap3A_149], %swap3A_152 {strides = array<i32>} : memref<4x128xi32, #tpu.memory_space<vmem>>, vector<1x16xi32>,
        %broadcast_in_dim3A_153 = arith.constant 1024 : i32
        %broadcast_in_dim3A_154 = vector.broadcast %broadcast_in_dim3A_153 : i32 to vector<16xi32>
        %swap3A_155 = arith.constant 1 : i32
        %swap3A_156 = arith.index_cast %swap3A_155 : i32 to index
        %swap3A_157 = arith.constant 48 : index
        %swap3A_158 = tpu.vector_load %arg8[%swap3A_156, %swap3A_157] {strides = array<i32>} : memref<4x128xi32, #tpu.memory_space<vmem>>, vector<1x16xi32>,
        %swap3A_159 = vector.shape_cast %swap3A_158 : vector<1x16xi32> to vector<16xi32>
        %swap3A_160 = vector.shape_cast %broadcast_in_dim3A_154 : vector<16xi32> to vector<1x16xi32>
        tpu.vector_store %arg8[%swap3A_156, %swap3A_157], %swap3A_160 {strides = array<i32>} : memref<4x128xi32, #tpu.memory_space<vmem>>, vector<1x16xi32>,
        %broadcast_in_dim3A_161 = arith.constant 1024 : i32
        %broadcast_in_dim3A_162 = vector.broadcast %broadcast_in_dim3A_161 : i32 to vector<16xi32>
        %swap3A_163 = arith.constant 1 : i32
        %swap3A_164 = arith.index_cast %swap3A_163 : i32 to index
        %swap3A_165 = arith.constant 64 : index
        %swap3A_166 = tpu.vector_load %arg8[%swap3A_164, %swap3A_165] {strides = array<i32>} : memref<4x128xi32, #tpu.memory_space<vmem>>, vector<1x16xi32>,
        %swap3A_167 = vector.shape_cast %swap3A_166 : vector<1x16xi32> to vector<16xi32>
        %swap3A_168 = vector.shape_cast %broadcast_in_dim3A_162 : vector<16xi32> to vector<1x16xi32>
        tpu.vector_store %arg8[%swap3A_164, %swap3A_165], %swap3A_168 {strides = array<i32>} : memref<4x128xi32, #tpu.memory_space<vmem>>, vector<1x16xi32>,
        %broadcast_in_dim3A_169 = arith.constant 1024 : i32
        %broadcast_in_dim3A_170 = vector.broadcast %broadcast_in_dim3A_169 : i32 to vector<16xi32>
        %swap3A_171 = arith.constant 1 : i32
        %swap3A_172 = arith.index_cast %swap3A_171 : i32 to index
        %swap3A_173 = arith.constant 80 : index
        %swap3A_174 = tpu.vector_load %arg8[%swap3A_172, %swap3A_173] {strides = array<i32>} : memref<4x128xi32, #tpu.memory_space<vmem>>, vector<1x16xi32>,
        %swap3A_175 = vector.shape_cast %swap3A_174 : vector<1x16xi32> to vector<16xi32>
        %swap3A_176 = vector.shape_cast %broadcast_in_dim3A_170 : vector<16xi32> to vector<1x16xi32>
        tpu.vector_store %arg8[%swap3A_172, %swap3A_173], %swap3A_176 {strides = array<i32>} : memref<4x128xi32, #tpu.memory_space<vmem>>, vector<1x16xi32>,
        %broadcast_in_dim3A_177 = arith.constant 1024 : i32
        %broadcast_in_dim3A_178 = vector.broadcast %broadcast_in_dim3A_177 : i32 to vector<16xi32>
        %swap3A_179 = arith.constant 1 : i32
        %swap3A_180 = arith.index_cast %swap3A_179 : i32 to index
        %swap3A_181 = arith.constant 96 : index
        %swap3A_182 = tpu.vector_load %arg8[%swap3A_180, %swap3A_181] {strides = array<i32>} : memref<4x128xi32, #tpu.memory_space<vmem>>, vector<1x16xi32>,
        %swap3A_183 = vector.shape_cast %swap3A_182 : vector<1x16xi32> to vector<16xi32>
        %swap3A_184 = vector.shape_cast %broadcast_in_dim3A_178 : vector<16xi32> to vector<1x16xi32>
        tpu.vector_store %arg8[%swap3A_180, %swap3A_181], %swap3A_184 {strides = array<i32>} : memref<4x128xi32, #tpu.memory_space<vmem>>, vector<1x16xi32>,
        %broadcast_in_dim3A_185 = arith.constant 1024 : i32
        %broadcast_in_dim3A_186 = vector.broadcast %broadcast_in_dim3A_185 : i32 to vector<16xi32>
        %swap3A_187 = arith.constant 1 : i32
        %swap3A_188 = arith.index_cast %swap3A_187 : i32 to index
        %swap3A_189 = arith.constant 112 : index
        %swap3A_190 = tpu.vector_load %arg8[%swap3A_188, %swap3A_189] {strides = array<i32>} : memref<4x128xi32, #tpu.memory_space<vmem>>, vector<1x16xi32>,
        %swap3A_191 = vector.shape_cast %swap3A_190 : vector<1x16xi32> to vector<16xi32>
        %swap3A_192 = vector.shape_cast %broadcast_in_dim3A_186 : vector<16xi32> to vector<1x16xi32>
        tpu.vector_store %arg8[%swap3A_188, %swap3A_189], %swap3A_192 {strides = array<i32>} : memref<4x128xi32, #tpu.memory_space<vmem>>, vector<1x16xi32>,
        %run_scoped3A = arith.constant 1 : i32
        "tpu.region"() ({
          %run_scoped3A_196 = tpu.sem_alloc : memref<!tpu.dma_semaphore, #tpu.memory_space<semaphore_mem>>
          %dma_start3A = arith.constant 0 : i32
          %dma_start3A_197 = tpu.memref_slice %arg8[%run_scoped3A, %dma_start3A] : memref<4x128xi32, #tpu.memory_space<vmem>> -> memref<1x32xi32, #tpu.memory_space<vmem>>
          %dma_start3A_198 = tpu.memref_squeeze %dma_start3A_197 : memref<1x32xi32, #tpu.memory_space<vmem>> -> memref<32xi32, #tpu.memory_space<vmem>>
          %dma_start3A_199 = tpu.memref_slice %arg3[%mul3A_78] : memref<100000xi32, #tpu.memory_space<hbm>> -> memref<32xi32, #tpu.memory_space<hbm>>
          %dma_start3A_200 = arith.constant 0 : i32
          %dma_start3A_201 = tpu.memref_slice %arg8[%run_scoped3A, %dma_start3A_200] : memref<4x128xi32, #tpu.memory_space<vmem>> -> memref<1x32xi32, #tpu.memory_space<vmem>>
          %dma_start3A_202 = tpu.memref_squeeze %dma_start3A_201 : memref<1x32xi32, #tpu.memory_space<vmem>> -> memref<32xi32, #tpu.memory_space<vmem>>
          %dma_start3A_203 = tpu.memref_slice %arg3[%mul3A_78] : memref<100000xi32, #tpu.memory_space<hbm>> -> memref<32xi32, #tpu.memory_space<hbm>>
          tpu.enqueue_dma source(%dma_start3A_203 : memref<32xi32, #tpu.memory_space<hbm>>) target(%dma_start3A_202 : memref<32xi32, #tpu.memory_space<vmem>>) target_semaphore(%run_scoped3A_196 : memref<!tpu.dma_semaphore, #tpu.memory_space<semaphore_mem>>)
          %dma_wait3A = arith.constant 0 : i32
          %dma_wait3A_204 = tpu.memref_slice %arg8[%run_scoped3A, %dma_wait3A] : memref<4x128xi32, #tpu.memory_space<vmem>> -> memref<1x32xi32, #tpu.memory_space<vmem>>
          %dma_wait3A_205 = tpu.memref_squeeze %dma_wait3A_204 : memref<1x32xi32, #tpu.memory_space<vmem>> -> memref<32xi32, #tpu.memory_space<vmem>>
          %dma_wait3A_206 = tpu.memref_slice %arg3[%mul3A_78] : memref<100000xi32, #tpu.memory_space<hbm>> -> memref<32xi32, #tpu.memory_space<hbm>>
          %dma_wait3A_207 = arith.constant 0 : i32
          %dma_wait3A_208 = tpu.memref_slice %arg8[%run_scoped3A, %dma_wait3A_207] : memref<4x128xi32, #tpu.memory_space<vmem>> -> memref<1x32xi32, #tpu.memory_space<vmem>>
          %dma_wait3A_209 = tpu.memref_squeeze %dma_wait3A_208 : memref<1x32xi32, #tpu.memory_space<vmem>> -> memref<32xi32, #tpu.memory_space<vmem>>
          %dma_wait3A_210 = tpu.memref_slice %arg3[%mul3A_78] : memref<100000xi32, #tpu.memory_space<hbm>> -> memref<32xi32, #tpu.memory_space<hbm>>
          tpu.wait_dma2 semaphore(%run_scoped3A_196 : memref<!tpu.dma_semaphore, #tpu.memory_space<semaphore_mem>>) src(%dma_wait3A_210 : memref<32xi32, #tpu.memory_space<hbm>>) dst(%dma_wait3A_209 : memref<32xi32, #tpu.memory_space<vmem>>)
          tpu.yield
        }) : () -> ()
        %run_scoped3A_193 = arith.constant 1 : i32
        "tpu.region"() ({
          %run_scoped3A_196 = tpu.sem_alloc : memref<!tpu.dma_semaphore, #tpu.memory_space<semaphore_mem>>
          %dma_start3A = arith.constant 0 : i32
          %dma_start3A_197 = arith.constant 0 : i32
          %dma_start3A_198 = tpu.memref_slice %arg7[%run_scoped3A_193, %dma_start3A, %dma_start3A_197] : memref<4x128x128xf32, #tpu.memory_space<vmem>> -> memref<1x32x128xf32, #tpu.memory_space<vmem>>
          %dma_start3A_199 = tpu.memref_squeeze %dma_start3A_198 : memref<1x32x128xf32, #tpu.memory_space<vmem>> -> memref<32x128xf32, #tpu.memory_space<vmem>>
          %dma_start3A_200 = arith.constant 0 : i32
          %dma_start3A_201 = tpu.memref_slice %arg2[%mul3A_78, %dma_start3A_200] : memref<100000x128xf32, #tpu.memory_space<hbm>> -> memref<32x128xf32, #tpu.memory_space<hbm>>
          %dma_start3A_202 = arith.constant 0 : i32
          %dma_start3A_203 = arith.constant 0 : i32
          %dma_start3A_204 = tpu.memref_slice %arg7[%run_scoped3A_193, %dma_start3A_202, %dma_start3A_203] : memref<4x128x128xf32, #tpu.memory_space<vmem>> -> memref<1x32x128xf32, #tpu.memory_space<vmem>>
          %dma_start3A_205 = tpu.memref_squeeze %dma_start3A_204 : memref<1x32x128xf32, #tpu.memory_space<vmem>> -> memref<32x128xf32, #tpu.memory_space<vmem>>
          %dma_start3A_206 = arith.constant 0 : i32
          %dma_start3A_207 = tpu.memref_slice %arg2[%mul3A_78, %dma_start3A_206] : memref<100000x128xf32, #tpu.memory_space<hbm>> -> memref<32x128xf32, #tpu.memory_space<hbm>>
          tpu.enqueue_dma source(%dma_start3A_207 : memref<32x128xf32, #tpu.memory_space<hbm>>) target(%dma_start3A_205 : memref<32x128xf32, #tpu.memory_space<vmem>>) target_semaphore(%run_scoped3A_196 : memref<!tpu.dma_semaphore, #tpu.memory_space<semaphore_mem>>)
          %dma_wait3A = arith.constant 0 : i32
          %dma_wait3A_208 = arith.constant 0 : i32
          %dma_wait3A_209 = tpu.memref_slice %arg7[%run_scoped3A_193, %dma_wait3A, %dma_wait3A_208] : memref<4x128x128xf32, #tpu.memory_space<vmem>> -> memref<1x32x128xf32, #tpu.memory_space<vmem>>
          %dma_wait3A_210 = tpu.memref_squeeze %dma_wait3A_209 : memref<1x32x128xf32, #tpu.memory_space<vmem>> -> memref<32x128xf32, #tpu.memory_space<vmem>>
          %dma_wait3A_211 = arith.constant 0 : i32
          %dma_wait3A_212 = tpu.memref_slice %arg2[%mul3A_78, %dma_wait3A_211] : memref<100000x128xf32, #tpu.memory_space<hbm>> -> memref<32x128xf32, #tpu.memory_space<hbm>>
          %dma_wait3A_213 = arith.constant 0 : i32
          %dma_wait3A_214 = arith.constant 0 : i32
          %dma_wait3A_215 = tpu.memref_slice %arg7[%run_scoped3A_193, %dma_wait3A_213, %dma_wait3A_214] : memref<4x128x128xf32, #tpu.memory_space<vmem>> -> memref<1x32x128xf32, #tpu.memory_space<vmem>>
          %dma_wait3A_216 = tpu.memref_squeeze %dma_wait3A_215 : memref<1x32x128xf32, #tpu.memory_space<vmem>> -> memref<32x128xf32, #tpu.memory_space<vmem>>
          %dma_wait3A_217 = arith.constant 0 : i32
          %dma_wait3A_218 = tpu.memref_slice %arg2[%mul3A_78, %dma_wait3A_217] : memref<100000x128xf32, #tpu.memory_space<hbm>> -> memref<32x128xf32, #tpu.memory_space<hbm>>
          tpu.wait_dma2 semaphore(%run_scoped3A_196 : memref<!tpu.dma_semaphore, #tpu.memory_space<semaphore_mem>>) src(%dma_wait3A_218 : memref<32x128xf32, #tpu.memory_space<hbm>>) dst(%dma_wait3A_216 : memref<32x128xf32, #tpu.memory_space<vmem>>)
          tpu.yield
        }) : () -> ()
        %run_scoped3A_194 = arith.constant 1 : i32
        %run_scoped3A_195 = arith.constant 1 : i32
        "tpu.region"() ({
          %run_scoped3A_196 = tpu.sem_alloc : memref<!tpu.dma_semaphore, #tpu.memory_space<semaphore_mem>>
          %dma_start3A = arith.constant 0 : i32
          %dma_start3A_197 = arith.constant 0 : i32
          %dma_start3A_198 = tpu.memref_slice %arg7[%run_scoped3A_194, %dma_start3A, %dma_start3A_197] : memref<4x128x128xf32, #tpu.memory_space<vmem>> -> memref<1x128x128xf32, #tpu.memory_space<vmem>>
          %dma_start3A_199 = tpu.memref_squeeze %dma_start3A_198 : memref<1x128x128xf32, #tpu.memory_space<vmem>> -> memref<128x128xf32, #tpu.memory_space<vmem>>
          %dma_start3A_200 = arith.constant 0 : i32
          %dma_start3A_201 = tpu.memref_slice %arg8[%run_scoped3A_195, %dma_start3A_200] : memref<4x128xi32, #tpu.memory_space<vmem>> -> memref<1x128xi32, #tpu.memory_space<vmem>>
          %dma_start3A_202 = tpu.memref_squeeze %dma_start3A_201 : memref<1x128xi32, #tpu.memory_space<vmem>> -> memref<128xi32, #tpu.memory_space<vmem>>
          %dma_start3A_203 = arith.constant 0 : i32
          %dma_start3A_204 = arith.constant 0 : i32
          %dma_start3A_205 = tpu.memref_slice %arg6[%dma_start3A_203, %dma_start3A_204] : memref<1152x128xf32, #tpu.memory_space<vmem_shared>> -> memref<1152x128xf32, #tpu.memory_space<vmem_shared>>
          tpu.enqueue_indirect_dma source(%dma_start3A_199 : memref<128x128xf32, #tpu.memory_space<vmem>>) target(%dma_start3A_205 : memref<1152x128xf32, #tpu.memory_space<vmem_shared>>) offsets(%dma_start3A_202 : memref<128xi32, #tpu.memory_space<vmem>>) semaphore(%run_scoped3A_196 : memref<!tpu.dma_semaphore, #tpu.memory_space<semaphore_mem>>) {add = true}
          %dma_wait3A = arith.constant 0 : i32
          %dma_wait3A_206 = arith.constant 0 : i32
          %dma_wait3A_207 = tpu.memref_slice %arg7[%run_scoped3A_194, %dma_wait3A, %dma_wait3A_206] : memref<4x128x128xf32, #tpu.memory_space<vmem>> -> memref<1x128x128xf32, #tpu.memory_space<vmem>>
          %dma_wait3A_208 = tpu.memref_squeeze %dma_wait3A_207 : memref<1x128x128xf32, #tpu.memory_space<vmem>> -> memref<128x128xf32, #tpu.memory_space<vmem>>
          %dma_wait3A_209 = arith.constant 0 : i32
          %dma_wait3A_210 = tpu.memref_slice %arg8[%run_scoped3A_195, %dma_wait3A_209] : memref<4x128xi32, #tpu.memory_space<vmem>> -> memref<1x128xi32, #tpu.memory_space<vmem>>
          %dma_wait3A_211 = tpu.memref_squeeze %dma_wait3A_210 : memref<1x128xi32, #tpu.memory_space<vmem>> -> memref<128xi32, #tpu.memory_space<vmem>>
          %dma_wait3A_212 = arith.constant 0 : i32
          %dma_wait3A_213 = arith.constant 0 : i32
          %dma_wait3A_214 = tpu.memref_slice %arg6[%dma_wait3A_212, %dma_wait3A_213] : memref<1152x128xf32, #tpu.memory_space<vmem_shared>> -> memref<1152x128xf32, #tpu.memory_space<vmem_shared>>
          tpu.wait_indirect_dma semaphore(%run_scoped3A_196 : memref<!tpu.dma_semaphore, #tpu.memory_space<semaphore_mem>>) src(%dma_wait3A_208 : memref<128x128xf32, #tpu.memory_space<vmem>>) dst(%dma_wait3A_214 : memref<1152x128xf32, #tpu.memory_space<vmem_shared>>)
          tpu.yield
        }) : () -> ()
      } else {
      }
      %mul3A_89 = arith.constant 4 : i32
      %mul3A_90 = arith.muli %mul3A_89, %scan3A_31 : i32
      %add3A_91 = arith.constant 2 : i32
      %add3A_92 = arith.addi %mul3A_90, %add3A_91 : i32
      %add3A_93 = arith.constant 3 : i32
      %add3A_94 = arith.addi %add3A_92, %add3A_93 : i32
      %mul3A_95 = arith.constant 32 : i32
      %mul3A_96 = arith.muli %add3A_94, %mul3A_95 : i32
      %add3A_97 = arith.addi %add3A, %mul3A_96 : i32
      %lt3A_98 = arith.constant 781 : i32
      %lt3A_99 = arith.cmpi slt, %add3A_97, %lt3A_98 : i32
      %convert_element_type3A_100 = arith.extui %lt3A_99 : i1 to i32
      %cond3A_101 = arith.constant 0 : i32
      %cond3A_102 = arith.cmpi ne, %convert_element_type3A_100, %cond3A_101 : i32
      scf.if %cond3A_102 {
        %mul3A_147 = arith.constant 128 : i32
        %mul3A_148 = arith.muli %add3A_97, %mul3A_147 : i32
        %dma_start3A = arith.constant 1 : i32
        %dma_start3A_149 = arith.constant 0 : i32
        %dma_start3A_150 = tpu.memref_slice %arg8[%dma_start3A, %dma_start3A_149] : memref<4x128xi32, #tpu.memory_space<vmem>> -> memref<1x128xi32, #tpu.memory_space<vmem>>
        %dma_start3A_151 = tpu.memref_squeeze %dma_start3A_150 : memref<1x128xi32, #tpu.memory_space<vmem>> -> memref<128xi32, #tpu.memory_space<vmem>>
        %dma_start3A_152 = tpu.memref_slice %arg3[%mul3A_148] : memref<100000xi32, #tpu.memory_space<hbm>> -> memref<128xi32, #tpu.memory_space<hbm>>
        %dma_start3A_153 = arith.constant 0 : i32
        %dma_start3A_154 = tpu.memref_slice %arg8[%dma_start3A, %dma_start3A_153] : memref<4x128xi32, #tpu.memory_space<vmem>> -> memref<1x128xi32, #tpu.memory_space<vmem>>
        %dma_start3A_155 = tpu.memref_squeeze %dma_start3A_154 : memref<1x128xi32, #tpu.memory_space<vmem>> -> memref<128xi32, #tpu.memory_space<vmem>>
        %dma_start3A_156 = tpu.memref_slice %arg3[%mul3A_148] : memref<100000xi32, #tpu.memory_space<hbm>> -> memref<128xi32, #tpu.memory_space<hbm>>
        tpu.enqueue_dma source(%dma_start3A_156 : memref<128xi32, #tpu.memory_space<hbm>>) target(%dma_start3A_155 : memref<128xi32, #tpu.memory_space<vmem>>) target_semaphore(%arg10 : memref<!tpu.dma_semaphore, #tpu.memory_space<semaphore_mem>>)
        %dma_start3A_157 = arith.constant 1 : i32
        %dma_start3A_158 = arith.constant 0 : i32
        %dma_start3A_159 = arith.constant 0 : i32
        %dma_start3A_160 = tpu.memref_slice %arg7[%dma_start3A_157, %dma_start3A_158, %dma_start3A_159] : memref<4x128x128xf32, #tpu.memory_space<vmem>> -> memref<1x128x128xf32, #tpu.memory_space<vmem>>
        %dma_start3A_161 = tpu.memref_squeeze %dma_start3A_160 : memref<1x128x128xf32, #tpu.memory_space<vmem>> -> memref<128x128xf32, #tpu.memory_space<vmem>>
        %dma_start3A_162 = arith.constant 0 : i32
        %dma_start3A_163 = tpu.memref_slice %arg2[%mul3A_148, %dma_start3A_162] : memref<100000x128xf32, #tpu.memory_space<hbm>> -> memref<128x128xf32, #tpu.memory_space<hbm>>
        %dma_start3A_164 = arith.constant 0 : i32
        %dma_start3A_165 = arith.constant 0 : i32
        %dma_start3A_166 = tpu.memref_slice %arg7[%dma_start3A_157, %dma_start3A_164, %dma_start3A_165] : memref<4x128x128xf32, #tpu.memory_space<vmem>> -> memref<1x128x128xf32, #tpu.memory_space<vmem>>
        %dma_start3A_167 = tpu.memref_squeeze %dma_start3A_166 : memref<1x128x128xf32, #tpu.memory_space<vmem>> -> memref<128x128xf32, #tpu.memory_space<vmem>>
        %dma_start3A_168 = arith.constant 0 : i32
        %dma_start3A_169 = tpu.memref_slice %arg2[%mul3A_148, %dma_start3A_168] : memref<100000x128xf32, #tpu.memory_space<hbm>> -> memref<128x128xf32, #tpu.memory_space<hbm>>
        tpu.enqueue_dma source(%dma_start3A_169 : memref<128x128xf32, #tpu.memory_space<hbm>>) target(%dma_start3A_167 : memref<128x128xf32, #tpu.memory_space<vmem>>) target_semaphore(%arg14 : memref<!tpu.dma_semaphore, #tpu.memory_space<semaphore_mem>>)
      } else {
      }
      %mul3A_103 = arith.constant 32 : i32
      %mul3A_104 = arith.muli %add3A_92, %mul3A_103 : i32
      %add3A_105 = arith.addi %add3A, %mul3A_104 : i32
      %mul3A_106 = arith.constant 128 : i32
      %mul3A_107 = arith.muli %add3A_105, %mul3A_106 : i32
      %lt3A_108 = arith.constant 781 : i32
      %lt3A_109 = arith.cmpi slt, %add3A_105, %lt3A_108 : i32
      %convert_element_type3A_110 = arith.extui %lt3A_109 : i1 to i32
      %cond3A_111 = arith.constant 0 : i32
      %cond3A_112 = arith.cmpi ne, %convert_element_type3A_110, %cond3A_111 : i32
      scf.if %cond3A_112 {
        %dma_wait3A = arith.constant 2 : i32
        %dma_wait3A_147 = arith.constant 0 : i32
        %dma_wait3A_148 = tpu.memref_slice %arg8[%dma_wait3A, %dma_wait3A_147] : memref<4x128xi32, #tpu.memory_space<vmem>> -> memref<1x128xi32, #tpu.memory_space<vmem>>
        %dma_wait3A_149 = tpu.memref_squeeze %dma_wait3A_148 : memref<1x128xi32, #tpu.memory_space<vmem>> -> memref<128xi32, #tpu.memory_space<vmem>>
        %dma_wait3A_150 = tpu.memref_slice %arg3[%mul3A_107] : memref<100000xi32, #tpu.memory_space<hbm>> -> memref<128xi32, #tpu.memory_space<hbm>>
        %dma_wait3A_151 = arith.constant 0 : i32
        %dma_wait3A_152 = tpu.memref_slice %arg8[%dma_wait3A, %dma_wait3A_151] : memref<4x128xi32, #tpu.memory_space<vmem>> -> memref<1x128xi32, #tpu.memory_space<vmem>>
        %dma_wait3A_153 = tpu.memref_squeeze %dma_wait3A_152 : memref<1x128xi32, #tpu.memory_space<vmem>> -> memref<128xi32, #tpu.memory_space<vmem>>
        %dma_wait3A_154 = tpu.memref_slice %arg3[%mul3A_107] : memref<100000xi32, #tpu.memory_space<hbm>> -> memref<128xi32, #tpu.memory_space<hbm>>
        tpu.wait_dma2 semaphore(%arg11 : memref<!tpu.dma_semaphore, #tpu.memory_space<semaphore_mem>>) src(%dma_wait3A_154 : memref<128xi32, #tpu.memory_space<hbm>>) dst(%dma_wait3A_153 : memref<128xi32, #tpu.memory_space<vmem>>)
        %dma_wait3A_155 = arith.constant 2 : i32
        %dma_wait3A_156 = arith.constant 0 : i32
        %dma_wait3A_157 = arith.constant 0 : i32
        %dma_wait3A_158 = tpu.memref_slice %arg7[%dma_wait3A_155, %dma_wait3A_156, %dma_wait3A_157] : memref<4x128x128xf32, #tpu.memory_space<vmem>> -> memref<1x128x128xf32, #tpu.memory_space<vmem>>
        %dma_wait3A_159 = tpu.memref_squeeze %dma_wait3A_158 : memref<1x128x128xf32, #tpu.memory_space<vmem>> -> memref<128x128xf32, #tpu.memory_space<vmem>>
        %dma_wait3A_160 = arith.constant 0 : i32
        %dma_wait3A_161 = tpu.memref_slice %arg2[%mul3A_107, %dma_wait3A_160] : memref<100000x128xf32, #tpu.memory_space<hbm>> -> memref<128x128xf32, #tpu.memory_space<hbm>>
        %dma_wait3A_162 = arith.constant 0 : i32
        %dma_wait3A_163 = arith.constant 0 : i32
        %dma_wait3A_164 = tpu.memref_slice %arg7[%dma_wait3A_155, %dma_wait3A_162, %dma_wait3A_163] : memref<4x128x128xf32, #tpu.memory_space<vmem>> -> memref<1x128x128xf32, #tpu.memory_space<vmem>>
        %dma_wait3A_165 = tpu.memref_squeeze %dma_wait3A_164 : memref<1x128x128xf32, #tpu.memory_space<vmem>> -> memref<128x128xf32, #tpu.memory_space<vmem>>
        %dma_wait3A_166 = arith.constant 0 : i32
        %dma_wait3A_167 = tpu.memref_slice %arg2[%mul3A_107, %dma_wait3A_166] : memref<100000x128xf32, #tpu.memory_space<hbm>> -> memref<128x128xf32, #tpu.memory_space<hbm>>
        tpu.wait_dma2 semaphore(%arg15 : memref<!tpu.dma_semaphore, #tpu.memory_space<semaphore_mem>>) src(%dma_wait3A_167 : memref<128x128xf32, #tpu.memory_space<hbm>>) dst(%dma_wait3A_165 : memref<128x128xf32, #tpu.memory_space<vmem>>)
        %run_scoped3A = arith.constant 2 : i32
        %run_scoped3A_168 = arith.constant 2 : i32
        "tpu.region"() ({
          %run_scoped3A_169 = tpu.sem_alloc : memref<!tpu.dma_semaphore, #tpu.memory_space<semaphore_mem>>
          %dma_start3A = arith.constant 0 : i32
          %dma_start3A_170 = arith.constant 0 : i32
          %dma_start3A_171 = tpu.memref_slice %arg7[%run_scoped3A, %dma_start3A, %dma_start3A_170] : memref<4x128x128xf32, #tpu.memory_space<vmem>> -> memref<1x128x128xf32, #tpu.memory_space<vmem>>
          %dma_start3A_172 = tpu.memref_squeeze %dma_start3A_171 : memref<1x128x128xf32, #tpu.memory_space<vmem>> -> memref<128x128xf32, #tpu.memory_space<vmem>>
          %dma_start3A_173 = arith.constant 0 : i32
          %dma_start3A_174 = tpu.memref_slice %arg8[%run_scoped3A_168, %dma_start3A_173] : memref<4x128xi32, #tpu.memory_space<vmem>> -> memref<1x128xi32, #tpu.memory_space<vmem>>
          %dma_start3A_175 = tpu.memref_squeeze %dma_start3A_174 : memref<1x128xi32, #tpu.memory_space<vmem>> -> memref<128xi32, #tpu.memory_space<vmem>>
          %dma_start3A_176 = arith.constant 0 : i32
          %dma_start3A_177 = arith.constant 0 : i32
          %dma_start3A_178 = tpu.memref_slice %arg6[%dma_start3A_176, %dma_start3A_177] : memref<1152x128xf32, #tpu.memory_space<vmem_shared>> -> memref<1152x128xf32, #tpu.memory_space<vmem_shared>>
          tpu.enqueue_indirect_dma source(%dma_start3A_172 : memref<128x128xf32, #tpu.memory_space<vmem>>) target(%dma_start3A_178 : memref<1152x128xf32, #tpu.memory_space<vmem_shared>>) offsets(%dma_start3A_175 : memref<128xi32, #tpu.memory_space<vmem>>) semaphore(%run_scoped3A_169 : memref<!tpu.dma_semaphore, #tpu.memory_space<semaphore_mem>>) {add = true}
          %dma_wait3A_179 = arith.constant 0 : i32
          %dma_wait3A_180 = arith.constant 0 : i32
          %dma_wait3A_181 = tpu.memref_slice %arg7[%run_scoped3A, %dma_wait3A_179, %dma_wait3A_180] : memref<4x128x128xf32, #tpu.memory_space<vmem>> -> memref<1x128x128xf32, #tpu.memory_space<vmem>>
          %dma_wait3A_182 = tpu.memref_squeeze %dma_wait3A_181 : memref<1x128x128xf32, #tpu.memory_space<vmem>> -> memref<128x128xf32, #tpu.memory_space<vmem>>
          %dma_wait3A_183 = arith.constant 0 : i32
          %dma_wait3A_184 = tpu.memref_slice %arg8[%run_scoped3A_168, %dma_wait3A_183] : memref<4x128xi32, #tpu.memory_space<vmem>> -> memref<1x128xi32, #tpu.memory_space<vmem>>
          %dma_wait3A_185 = tpu.memref_squeeze %dma_wait3A_184 : memref<1x128xi32, #tpu.memory_space<vmem>> -> memref<128xi32, #tpu.memory_space<vmem>>
          %dma_wait3A_186 = arith.constant 0 : i32
          %dma_wait3A_187 = arith.constant 0 : i32
          %dma_wait3A_188 = tpu.memref_slice %arg6[%dma_wait3A_186, %dma_wait3A_187] : memref<1152x128xf32, #tpu.memory_space<vmem_shared>> -> memref<1152x128xf32, #tpu.memory_space<vmem_shared>>
          tpu.wait_indirect_dma semaphore(%run_scoped3A_169 : memref<!tpu.dma_semaphore, #tpu.memory_space<semaphore_mem>>) src(%dma_wait3A_182 : memref<128x128xf32, #tpu.memory_space<vmem>>) dst(%dma_wait3A_188 : memref<1152x128xf32, #tpu.memory_space<vmem_shared>>)
          tpu.yield
        }) : () -> ()
      } else {
      }
      %eq3A_113 = arith.constant 781 : i32
      %eq3A_114 = arith.cmpi eq, %add3A_105, %eq3A_113 : i32
      %convert_element_type3A_115 = arith.extui %eq3A_114 : i1 to i32
      %cond3A_116 = arith.constant 0 : i32
      %cond3A_117 = arith.cmpi ne, %convert_element_type3A_115, %cond3A_116 : i32
      scf.if %cond3A_117 {
        %broadcast_in_dim3A = arith.constant 1024 : i32
        %broadcast_in_dim3A_147 = vector.broadcast %broadcast_in_dim3A : i32 to vector<16xi32>
        %swap3A = arith.constant 2 : i32
        %swap3A_148 = arith.index_cast %swap3A : i32 to index
        %swap3A_149 = arith.constant 32 : index
        %swap3A_150 = tpu.vector_load %arg8[%swap3A_148, %swap3A_149] {strides = array<i32>} : memref<4x128xi32, #tpu.memory_space<vmem>>, vector<1x16xi32>,
        %swap3A_151 = vector.shape_cast %swap3A_150 : vector<1x16xi32> to vector<16xi32>
        %swap3A_152 = vector.shape_cast %broadcast_in_dim3A_147 : vector<16xi32> to vector<1x16xi32>
        tpu.vector_store %arg8[%swap3A_148, %swap3A_149], %swap3A_152 {strides = array<i32>} : memref<4x128xi32, #tpu.memory_space<vmem>>, vector<1x16xi32>,
        %broadcast_in_dim3A_153 = arith.constant 1024 : i32
        %broadcast_in_dim3A_154 = vector.broadcast %broadcast_in_dim3A_153 : i32 to vector<16xi32>
        %swap3A_155 = arith.constant 2 : i32
        %swap3A_156 = arith.index_cast %swap3A_155 : i32 to index
        %swap3A_157 = arith.constant 48 : index
        %swap3A_158 = tpu.vector_load %arg8[%swap3A_156, %swap3A_157] {strides = array<i32>} : memref<4x128xi32, #tpu.memory_space<vmem>>, vector<1x16xi32>,
        %swap3A_159 = vector.shape_cast %swap3A_158 : vector<1x16xi32> to vector<16xi32>
        %swap3A_160 = vector.shape_cast %broadcast_in_dim3A_154 : vector<16xi32> to vector<1x16xi32>
        tpu.vector_store %arg8[%swap3A_156, %swap3A_157], %swap3A_160 {strides = array<i32>} : memref<4x128xi32, #tpu.memory_space<vmem>>, vector<1x16xi32>,
        %broadcast_in_dim3A_161 = arith.constant 1024 : i32
        %broadcast_in_dim3A_162 = vector.broadcast %broadcast_in_dim3A_161 : i32 to vector<16xi32>
        %swap3A_163 = arith.constant 2 : i32
        %swap3A_164 = arith.index_cast %swap3A_163 : i32 to index
        %swap3A_165 = arith.constant 64 : index
        %swap3A_166 = tpu.vector_load %arg8[%swap3A_164, %swap3A_165] {strides = array<i32>} : memref<4x128xi32, #tpu.memory_space<vmem>>, vector<1x16xi32>,
        %swap3A_167 = vector.shape_cast %swap3A_166 : vector<1x16xi32> to vector<16xi32>
        %swap3A_168 = vector.shape_cast %broadcast_in_dim3A_162 : vector<16xi32> to vector<1x16xi32>
        tpu.vector_store %arg8[%swap3A_164, %swap3A_165], %swap3A_168 {strides = array<i32>} : memref<4x128xi32, #tpu.memory_space<vmem>>, vector<1x16xi32>,
        %broadcast_in_dim3A_169 = arith.constant 1024 : i32
        %broadcast_in_dim3A_170 = vector.broadcast %broadcast_in_dim3A_169 : i32 to vector<16xi32>
        %swap3A_171 = arith.constant 2 : i32
        %swap3A_172 = arith.index_cast %swap3A_171 : i32 to index
        %swap3A_173 = arith.constant 80 : index
        %swap3A_174 = tpu.vector_load %arg8[%swap3A_172, %swap3A_173] {strides = array<i32>} : memref<4x128xi32, #tpu.memory_space<vmem>>, vector<1x16xi32>,
        %swap3A_175 = vector.shape_cast %swap3A_174 : vector<1x16xi32> to vector<16xi32>
        %swap3A_176 = vector.shape_cast %broadcast_in_dim3A_170 : vector<16xi32> to vector<1x16xi32>
        tpu.vector_store %arg8[%swap3A_172, %swap3A_173], %swap3A_176 {strides = array<i32>} : memref<4x128xi32, #tpu.memory_space<vmem>>, vector<1x16xi32>,
        %broadcast_in_dim3A_177 = arith.constant 1024 : i32
        %broadcast_in_dim3A_178 = vector.broadcast %broadcast_in_dim3A_177 : i32 to vector<16xi32>
        %swap3A_179 = arith.constant 2 : i32
        %swap3A_180 = arith.index_cast %swap3A_179 : i32 to index
        %swap3A_181 = arith.constant 96 : index
        %swap3A_182 = tpu.vector_load %arg8[%swap3A_180, %swap3A_181] {strides = array<i32>} : memref<4x128xi32, #tpu.memory_space<vmem>>, vector<1x16xi32>,
        %swap3A_183 = vector.shape_cast %swap3A_182 : vector<1x16xi32> to vector<16xi32>
        %swap3A_184 = vector.shape_cast %broadcast_in_dim3A_178 : vector<16xi32> to vector<1x16xi32>
        tpu.vector_store %arg8[%swap3A_180, %swap3A_181], %swap3A_184 {strides = array<i32>} : memref<4x128xi32, #tpu.memory_space<vmem>>, vector<1x16xi32>,
        %broadcast_in_dim3A_185 = arith.constant 1024 : i32
        %broadcast_in_dim3A_186 = vector.broadcast %broadcast_in_dim3A_185 : i32 to vector<16xi32>
        %swap3A_187 = arith.constant 2 : i32
        %swap3A_188 = arith.index_cast %swap3A_187 : i32 to index
        %swap3A_189 = arith.constant 112 : index
        %swap3A_190 = tpu.vector_load %arg8[%swap3A_188, %swap3A_189] {strides = array<i32>} : memref<4x128xi32, #tpu.memory_space<vmem>>, vector<1x16xi32>,
        %swap3A_191 = vector.shape_cast %swap3A_190 : vector<1x16xi32> to vector<16xi32>
        %swap3A_192 = vector.shape_cast %broadcast_in_dim3A_186 : vector<16xi32> to vector<1x16xi32>
        tpu.vector_store %arg8[%swap3A_188, %swap3A_189], %swap3A_192 {strides = array<i32>} : memref<4x128xi32, #tpu.memory_space<vmem>>, vector<1x16xi32>,
        %run_scoped3A = arith.constant 2 : i32
        "tpu.region"() ({
          %run_scoped3A_196 = tpu.sem_alloc : memref<!tpu.dma_semaphore, #tpu.memory_space<semaphore_mem>>
          %dma_start3A = arith.constant 0 : i32
          %dma_start3A_197 = tpu.memref_slice %arg8[%run_scoped3A, %dma_start3A] : memref<4x128xi32, #tpu.memory_space<vmem>> -> memref<1x32xi32, #tpu.memory_space<vmem>>
          %dma_start3A_198 = tpu.memref_squeeze %dma_start3A_197 : memref<1x32xi32, #tpu.memory_space<vmem>> -> memref<32xi32, #tpu.memory_space<vmem>>
          %dma_start3A_199 = tpu.memref_slice %arg3[%mul3A_107] : memref<100000xi32, #tpu.memory_space<hbm>> -> memref<32xi32, #tpu.memory_space<hbm>>
          %dma_start3A_200 = arith.constant 0 : i32
          %dma_start3A_201 = tpu.memref_slice %arg8[%run_scoped3A, %dma_start3A_200] : memref<4x128xi32, #tpu.memory_space<vmem>> -> memref<1x32xi32, #tpu.memory_space<vmem>>
          %dma_start3A_202 = tpu.memref_squeeze %dma_start3A_201 : memref<1x32xi32, #tpu.memory_space<vmem>> -> memref<32xi32, #tpu.memory_space<vmem>>
          %dma_start3A_203 = tpu.memref_slice %arg3[%mul3A_107] : memref<100000xi32, #tpu.memory_space<hbm>> -> memref<32xi32, #tpu.memory_space<hbm>>
          tpu.enqueue_dma source(%dma_start3A_203 : memref<32xi32, #tpu.memory_space<hbm>>) target(%dma_start3A_202 : memref<32xi32, #tpu.memory_space<vmem>>) target_semaphore(%run_scoped3A_196 : memref<!tpu.dma_semaphore, #tpu.memory_space<semaphore_mem>>)
          %dma_wait3A = arith.constant 0 : i32
          %dma_wait3A_204 = tpu.memref_slice %arg8[%run_scoped3A, %dma_wait3A] : memref<4x128xi32, #tpu.memory_space<vmem>> -> memref<1x32xi32, #tpu.memory_space<vmem>>
          %dma_wait3A_205 = tpu.memref_squeeze %dma_wait3A_204 : memref<1x32xi32, #tpu.memory_space<vmem>> -> memref<32xi32, #tpu.memory_space<vmem>>
          %dma_wait3A_206 = tpu.memref_slice %arg3[%mul3A_107] : memref<100000xi32, #tpu.memory_space<hbm>> -> memref<32xi32, #tpu.memory_space<hbm>>
          %dma_wait3A_207 = arith.constant 0 : i32
          %dma_wait3A_208 = tpu.memref_slice %arg8[%run_scoped3A, %dma_wait3A_207] : memref<4x128xi32, #tpu.memory_space<vmem>> -> memref<1x32xi32, #tpu.memory_space<vmem>>
          %dma_wait3A_209 = tpu.memref_squeeze %dma_wait3A_208 : memref<1x32xi32, #tpu.memory_space<vmem>> -> memref<32xi32, #tpu.memory_space<vmem>>
          %dma_wait3A_210 = tpu.memref_slice %arg3[%mul3A_107] : memref<100000xi32, #tpu.memory_space<hbm>> -> memref<32xi32, #tpu.memory_space<hbm>>
          tpu.wait_dma2 semaphore(%run_scoped3A_196 : memref<!tpu.dma_semaphore, #tpu.memory_space<semaphore_mem>>) src(%dma_wait3A_210 : memref<32xi32, #tpu.memory_space<hbm>>) dst(%dma_wait3A_209 : memref<32xi32, #tpu.memory_space<vmem>>)
          tpu.yield
        }) : () -> ()
        %run_scoped3A_193 = arith.constant 2 : i32
        "tpu.region"() ({
          %run_scoped3A_196 = tpu.sem_alloc : memref<!tpu.dma_semaphore, #tpu.memory_space<semaphore_mem>>
          %dma_start3A = arith.constant 0 : i32
          %dma_start3A_197 = arith.constant 0 : i32
          %dma_start3A_198 = tpu.memref_slice %arg7[%run_scoped3A_193, %dma_start3A, %dma_start3A_197] : memref<4x128x128xf32, #tpu.memory_space<vmem>> -> memref<1x32x128xf32, #tpu.memory_space<vmem>>
          %dma_start3A_199 = tpu.memref_squeeze %dma_start3A_198 : memref<1x32x128xf32, #tpu.memory_space<vmem>> -> memref<32x128xf32, #tpu.memory_space<vmem>>
          %dma_start3A_200 = arith.constant 0 : i32
          %dma_start3A_201 = tpu.memref_slice %arg2[%mul3A_107, %dma_start3A_200] : memref<100000x128xf32, #tpu.memory_space<hbm>> -> memref<32x128xf32, #tpu.memory_space<hbm>>
          %dma_start3A_202 = arith.constant 0 : i32
          %dma_start3A_203 = arith.constant 0 : i32
          %dma_start3A_204 = tpu.memref_slice %arg7[%run_scoped3A_193, %dma_start3A_202, %dma_start3A_203] : memref<4x128x128xf32, #tpu.memory_space<vmem>> -> memref<1x32x128xf32, #tpu.memory_space<vmem>>
          %dma_start3A_205 = tpu.memref_squeeze %dma_start3A_204 : memref<1x32x128xf32, #tpu.memory_space<vmem>> -> memref<32x128xf32, #tpu.memory_space<vmem>>
          %dma_start3A_206 = arith.constant 0 : i32
          %dma_start3A_207 = tpu.memref_slice %arg2[%mul3A_107, %dma_start3A_206] : memref<100000x128xf32, #tpu.memory_space<hbm>> -> memref<32x128xf32, #tpu.memory_space<hbm>>
          tpu.enqueue_dma source(%dma_start3A_207 : memref<32x128xf32, #tpu.memory_space<hbm>>) target(%dma_start3A_205 : memref<32x128xf32, #tpu.memory_space<vmem>>) target_semaphore(%run_scoped3A_196 : memref<!tpu.dma_semaphore, #tpu.memory_space<semaphore_mem>>)
          %dma_wait3A = arith.constant 0 : i32
          %dma_wait3A_208 = arith.constant 0 : i32
          %dma_wait3A_209 = tpu.memref_slice %arg7[%run_scoped3A_193, %dma_wait3A, %dma_wait3A_208] : memref<4x128x128xf32, #tpu.memory_space<vmem>> -> memref<1x32x128xf32, #tpu.memory_space<vmem>>
          %dma_wait3A_210 = tpu.memref_squeeze %dma_wait3A_209 : memref<1x32x128xf32, #tpu.memory_space<vmem>> -> memref<32x128xf32, #tpu.memory_space<vmem>>
          %dma_wait3A_211 = arith.constant 0 : i32
          %dma_wait3A_212 = tpu.memref_slice %arg2[%mul3A_107, %dma_wait3A_211] : memref<100000x128xf32, #tpu.memory_space<hbm>> -> memref<32x128xf32, #tpu.memory_space<hbm>>
          %dma_wait3A_213 = arith.constant 0 : i32
          %dma_wait3A_214 = arith.constant 0 : i32
          %dma_wait3A_215 = tpu.memref_slice %arg7[%run_scoped3A_193, %dma_wait3A_213, %dma_wait3A_214] : memref<4x128x128xf32, #tpu.memory_space<vmem>> -> memref<1x32x128xf32, #tpu.memory_space<vmem>>
          %dma_wait3A_216 = tpu.memref_squeeze %dma_wait3A_215 : memref<1x32x128xf32, #tpu.memory_space<vmem>> -> memref<32x128xf32, #tpu.memory_space<vmem>>
          %dma_wait3A_217 = arith.constant 0 : i32
          %dma_wait3A_218 = tpu.memref_slice %arg2[%mul3A_107, %dma_wait3A_217] : memref<100000x128xf32, #tpu.memory_space<hbm>> -> memref<32x128xf32, #tpu.memory_space<hbm>>
          tpu.wait_dma2 semaphore(%run_scoped3A_196 : memref<!tpu.dma_semaphore, #tpu.memory_space<semaphore_mem>>) src(%dma_wait3A_218 : memref<32x128xf32, #tpu.memory_space<hbm>>) dst(%dma_wait3A_216 : memref<32x128xf32, #tpu.memory_space<vmem>>)
          tpu.yield
        }) : () -> ()
        %run_scoped3A_194 = arith.constant 2 : i32
        %run_scoped3A_195 = arith.constant 2 : i32
        "tpu.region"() ({
          %run_scoped3A_196 = tpu.sem_alloc : memref<!tpu.dma_semaphore, #tpu.memory_space<semaphore_mem>>
          %dma_start3A = arith.constant 0 : i32
          %dma_start3A_197 = arith.constant 0 : i32
          %dma_start3A_198 = tpu.memref_slice %arg7[%run_scoped3A_194, %dma_start3A, %dma_start3A_197] : memref<4x128x128xf32, #tpu.memory_space<vmem>> -> memref<1x128x128xf32, #tpu.memory_space<vmem>>
          %dma_start3A_199 = tpu.memref_squeeze %dma_start3A_198 : memref<1x128x128xf32, #tpu.memory_space<vmem>> -> memref<128x128xf32, #tpu.memory_space<vmem>>
          %dma_start3A_200 = arith.constant 0 : i32
          %dma_start3A_201 = tpu.memref_slice %arg8[%run_scoped3A_195, %dma_start3A_200] : memref<4x128xi32, #tpu.memory_space<vmem>> -> memref<1x128xi32, #tpu.memory_space<vmem>>
          %dma_start3A_202 = tpu.memref_squeeze %dma_start3A_201 : memref<1x128xi32, #tpu.memory_space<vmem>> -> memref<128xi32, #tpu.memory_space<vmem>>
          %dma_start3A_203 = arith.constant 0 : i32
          %dma_start3A_204 = arith.constant 0 : i32
          %dma_start3A_205 = tpu.memref_slice %arg6[%dma_start3A_203, %dma_start3A_204] : memref<1152x128xf32, #tpu.memory_space<vmem_shared>> -> memref<1152x128xf32, #tpu.memory_space<vmem_shared>>
          tpu.enqueue_indirect_dma source(%dma_start3A_199 : memref<128x128xf32, #tpu.memory_space<vmem>>) target(%dma_start3A_205 : memref<1152x128xf32, #tpu.memory_space<vmem_shared>>) offsets(%dma_start3A_202 : memref<128xi32, #tpu.memory_space<vmem>>) semaphore(%run_scoped3A_196 : memref<!tpu.dma_semaphore, #tpu.memory_space<semaphore_mem>>) {add = true}
          %dma_wait3A = arith.constant 0 : i32
          %dma_wait3A_206 = arith.constant 0 : i32
          %dma_wait3A_207 = tpu.memref_slice %arg7[%run_scoped3A_194, %dma_wait3A, %dma_wait3A_206] : memref<4x128x128xf32, #tpu.memory_space<vmem>> -> memref<1x128x128xf32, #tpu.memory_space<vmem>>
          %dma_wait3A_208 = tpu.memref_squeeze %dma_wait3A_207 : memref<1x128x128xf32, #tpu.memory_space<vmem>> -> memref<128x128xf32, #tpu.memory_space<vmem>>
          %dma_wait3A_209 = arith.constant 0 : i32
          %dma_wait3A_210 = tpu.memref_slice %arg8[%run_scoped3A_195, %dma_wait3A_209] : memref<4x128xi32, #tpu.memory_space<vmem>> -> memref<1x128xi32, #tpu.memory_space<vmem>>
          %dma_wait3A_211 = tpu.memref_squeeze %dma_wait3A_210 : memref<1x128xi32, #tpu.memory_space<vmem>> -> memref<128xi32, #tpu.memory_space<vmem>>
          %dma_wait3A_212 = arith.constant 0 : i32
          %dma_wait3A_213 = arith.constant 0 : i32
          %dma_wait3A_214 = tpu.memref_slice %arg6[%dma_wait3A_212, %dma_wait3A_213] : memref<1152x128xf32, #tpu.memory_space<vmem_shared>> -> memref<1152x128xf32, #tpu.memory_space<vmem_shared>>
          tpu.wait_indirect_dma semaphore(%run_scoped3A_196 : memref<!tpu.dma_semaphore, #tpu.memory_space<semaphore_mem>>) src(%dma_wait3A_208 : memref<128x128xf32, #tpu.memory_space<vmem>>) dst(%dma_wait3A_214 : memref<1152x128xf32, #tpu.memory_space<vmem_shared>>)
          tpu.yield
        }) : () -> ()
      } else {
      }
      %mul3A_118 = arith.constant 4 : i32
      %mul3A_119 = arith.muli %mul3A_118, %scan3A_31 : i32
      %add3A_120 = arith.constant 3 : i32
      %add3A_121 = arith.addi %mul3A_119, %add3A_120 : i32
      %add3A_122 = arith.constant 3 : i32
      %add3A_123 = arith.addi %add3A_121, %add3A_122 : i32
      %mul3A_124 = arith.constant 32 : i32
      %mul3A_125 = arith.muli %add3A_123, %mul3A_124 : i32
      %add3A_126 = arith.addi %add3A, %mul3A_125 : i32
      %lt3A_127 = arith.constant 781 : i32
      %lt3A_128 = arith.cmpi slt, %add3A_126, %lt3A_127 : i32
      %convert_element_type3A_129 = arith.extui %lt3A_128 : i1 to i32
      %cond3A_130 = arith.constant 0 : i32
      %cond3A_131 = arith.cmpi ne, %convert_element_type3A_129, %cond3A_130 : i32
      scf.if %cond3A_131 {
        %mul3A_147 = arith.constant 128 : i32
        %mul3A_148 = arith.muli %add3A_126, %mul3A_147 : i32
        %dma_start3A = arith.constant 2 : i32
        %dma_start3A_149 = arith.constant 0 : i32
        %dma_start3A_150 = tpu.memref_slice %arg8[%dma_start3A, %dma_start3A_149] : memref<4x128xi32, #tpu.memory_space<vmem>> -> memref<1x128xi32, #tpu.memory_space<vmem>>
        %dma_start3A_151 = tpu.memref_squeeze %dma_start3A_150 : memref<1x128xi32, #tpu.memory_space<vmem>> -> memref<128xi32, #tpu.memory_space<vmem>>
        %dma_start3A_152 = tpu.memref_slice %arg3[%mul3A_148] : memref<100000xi32, #tpu.memory_space<hbm>> -> memref<128xi32, #tpu.memory_space<hbm>>
        %dma_start3A_153 = arith.constant 0 : i32
        %dma_start3A_154 = tpu.memref_slice %arg8[%dma_start3A, %dma_start3A_153] : memref<4x128xi32, #tpu.memory_space<vmem>> -> memref<1x128xi32, #tpu.memory_space<vmem>>
        %dma_start3A_155 = tpu.memref_squeeze %dma_start3A_154 : memref<1x128xi32, #tpu.memory_space<vmem>> -> memref<128xi32, #tpu.memory_space<vmem>>
        %dma_start3A_156 = tpu.memref_slice %arg3[%mul3A_148] : memref<100000xi32, #tpu.memory_space<hbm>> -> memref<128xi32, #tpu.memory_space<hbm>>
        tpu.enqueue_dma source(%dma_start3A_156 : memref<128xi32, #tpu.memory_space<hbm>>) target(%dma_start3A_155 : memref<128xi32, #tpu.memory_space<vmem>>) target_semaphore(%arg11 : memref<!tpu.dma_semaphore, #tpu.memory_space<semaphore_mem>>)
        %dma_start3A_157 = arith.constant 2 : i32
        %dma_start3A_158 = arith.constant 0 : i32
        %dma_start3A_159 = arith.constant 0 : i32
        %dma_start3A_160 = tpu.memref_slice %arg7[%dma_start3A_157, %dma_start3A_158, %dma_start3A_159] : memref<4x128x128xf32, #tpu.memory_space<vmem>> -> memref<1x128x128xf32, #tpu.memory_space<vmem>>
        %dma_start3A_161 = tpu.memref_squeeze %dma_start3A_160 : memref<1x128x128xf32, #tpu.memory_space<vmem>> -> memref<128x128xf32, #tpu.memory_space<vmem>>
        %dma_start3A_162 = arith.constant 0 : i32
        %dma_start3A_163 = tpu.memref_slice %arg2[%mul3A_148, %dma_start3A_162] : memref<100000x128xf32, #tpu.memory_space<hbm>> -> memref<128x128xf32, #tpu.memory_space<hbm>>
        %dma_start3A_164 = arith.constant 0 : i32
        %dma_start3A_165 = arith.constant 0 : i32
        %dma_start3A_166 = tpu.memref_slice %arg7[%dma_start3A_157, %dma_start3A_164, %dma_start3A_165] : memref<4x128x128xf32, #tpu.memory_space<vmem>> -> memref<1x128x128xf32, #tpu.memory_space<vmem>>
        %dma_start3A_167 = tpu.memref_squeeze %dma_start3A_166 : memref<1x128x128xf32, #tpu.memory_space<vmem>> -> memref<128x128xf32, #tpu.memory_space<vmem>>
        %dma_start3A_168 = arith.constant 0 : i32
        %dma_start3A_169 = tpu.memref_slice %arg2[%mul3A_148, %dma_start3A_168] : memref<100000x128xf32, #tpu.memory_space<hbm>> -> memref<128x128xf32, #tpu.memory_space<hbm>>
        tpu.enqueue_dma source(%dma_start3A_169 : memref<128x128xf32, #tpu.memory_space<hbm>>) target(%dma_start3A_167 : memref<128x128xf32, #tpu.memory_space<vmem>>) target_semaphore(%arg15 : memref<!tpu.dma_semaphore, #tpu.memory_space<semaphore_mem>>)
      } else {
      }
      %mul3A_132 = arith.constant 32 : i32
      %mul3A_133 = arith.muli %add3A_121, %mul3A_132 : i32
      %add3A_134 = arith.addi %add3A, %mul3A_133 : i32
      %mul3A_135 = arith.constant 128 : i32
      %mul3A_136 = arith.muli %add3A_134, %mul3A_135 : i32
      %lt3A_137 = arith.constant 781 : i32
      %lt3A_138 = arith.cmpi slt, %add3A_134, %lt3A_137 : i32
      %convert_element_type3A_139 = arith.extui %lt3A_138 : i1 to i32
      %cond3A_140 = arith.constant 0 : i32
      %cond3A_141 = arith.cmpi ne, %convert_element_type3A_139, %cond3A_140 : i32
      scf.if %cond3A_141 {
        %dma_wait3A = arith.constant 3 : i32
        %dma_wait3A_147 = arith.constant 0 : i32
        %dma_wait3A_148 = tpu.memref_slice %arg8[%dma_wait3A, %dma_wait3A_147] : memref<4x128xi32, #tpu.memory_space<vmem>> -> memref<1x128xi32, #tpu.memory_space<vmem>>
        %dma_wait3A_149 = tpu.memref_squeeze %dma_wait3A_148 : memref<1x128xi32, #tpu.memory_space<vmem>> -> memref<128xi32, #tpu.memory_space<vmem>>
        %dma_wait3A_150 = tpu.memref_slice %arg3[%mul3A_136] : memref<100000xi32, #tpu.memory_space<hbm>> -> memref<128xi32, #tpu.memory_space<hbm>>
        %dma_wait3A_151 = arith.constant 0 : i32
        %dma_wait3A_152 = tpu.memref_slice %arg8[%dma_wait3A, %dma_wait3A_151] : memref<4x128xi32, #tpu.memory_space<vmem>> -> memref<1x128xi32, #tpu.memory_space<vmem>>
        %dma_wait3A_153 = tpu.memref_squeeze %dma_wait3A_152 : memref<1x128xi32, #tpu.memory_space<vmem>> -> memref<128xi32, #tpu.memory_space<vmem>>
        %dma_wait3A_154 = tpu.memref_slice %arg3[%mul3A_136] : memref<100000xi32, #tpu.memory_space<hbm>> -> memref<128xi32, #tpu.memory_space<hbm>>
        tpu.wait_dma2 semaphore(%arg12 : memref<!tpu.dma_semaphore, #tpu.memory_space<semaphore_mem>>) src(%dma_wait3A_154 : memref<128xi32, #tpu.memory_space<hbm>>) dst(%dma_wait3A_153 : memref<128xi32, #tpu.memory_space<vmem>>)
        %dma_wait3A_155 = arith.constant 3 : i32
        %dma_wait3A_156 = arith.constant 0 : i32
        %dma_wait3A_157 = arith.constant 0 : i32
        %dma_wait3A_158 = tpu.memref_slice %arg7[%dma_wait3A_155, %dma_wait3A_156, %dma_wait3A_157] : memref<4x128x128xf32, #tpu.memory_space<vmem>> -> memref<1x128x128xf32, #tpu.memory_space<vmem>>
        %dma_wait3A_159 = tpu.memref_squeeze %dma_wait3A_158 : memref<1x128x128xf32, #tpu.memory_space<vmem>> -> memref<128x128xf32, #tpu.memory_space<vmem>>
        %dma_wait3A_160 = arith.constant 0 : i32
        %dma_wait3A_161 = tpu.memref_slice %arg2[%mul3A_136, %dma_wait3A_160] : memref<100000x128xf32, #tpu.memory_space<hbm>> -> memref<128x128xf32, #tpu.memory_space<hbm>>
        %dma_wait3A_162 = arith.constant 0 : i32
        %dma_wait3A_163 = arith.constant 0 : i32
        %dma_wait3A_164 = tpu.memref_slice %arg7[%dma_wait3A_155, %dma_wait3A_162, %dma_wait3A_163] : memref<4x128x128xf32, #tpu.memory_space<vmem>> -> memref<1x128x128xf32, #tpu.memory_space<vmem>>
        %dma_wait3A_165 = tpu.memref_squeeze %dma_wait3A_164 : memref<1x128x128xf32, #tpu.memory_space<vmem>> -> memref<128x128xf32, #tpu.memory_space<vmem>>
        %dma_wait3A_166 = arith.constant 0 : i32
        %dma_wait3A_167 = tpu.memref_slice %arg2[%mul3A_136, %dma_wait3A_166] : memref<100000x128xf32, #tpu.memory_space<hbm>> -> memref<128x128xf32, #tpu.memory_space<hbm>>
        tpu.wait_dma2 semaphore(%arg16 : memref<!tpu.dma_semaphore, #tpu.memory_space<semaphore_mem>>) src(%dma_wait3A_167 : memref<128x128xf32, #tpu.memory_space<hbm>>) dst(%dma_wait3A_165 : memref<128x128xf32, #tpu.memory_space<vmem>>)
        %run_scoped3A = arith.constant 3 : i32
        %run_scoped3A_168 = arith.constant 3 : i32
        "tpu.region"() ({
          %run_scoped3A_169 = tpu.sem_alloc : memref<!tpu.dma_semaphore, #tpu.memory_space<semaphore_mem>>
          %dma_start3A = arith.constant 0 : i32
          %dma_start3A_170 = arith.constant 0 : i32
          %dma_start3A_171 = tpu.memref_slice %arg7[%run_scoped3A, %dma_start3A, %dma_start3A_170] : memref<4x128x128xf32, #tpu.memory_space<vmem>> -> memref<1x128x128xf32, #tpu.memory_space<vmem>>
          %dma_start3A_172 = tpu.memref_squeeze %dma_start3A_171 : memref<1x128x128xf32, #tpu.memory_space<vmem>> -> memref<128x128xf32, #tpu.memory_space<vmem>>
          %dma_start3A_173 = arith.constant 0 : i32
          %dma_start3A_174 = tpu.memref_slice %arg8[%run_scoped3A_168, %dma_start3A_173] : memref<4x128xi32, #tpu.memory_space<vmem>> -> memref<1x128xi32, #tpu.memory_space<vmem>>
          %dma_start3A_175 = tpu.memref_squeeze %dma_start3A_174 : memref<1x128xi32, #tpu.memory_space<vmem>> -> memref<128xi32, #tpu.memory_space<vmem>>
          %dma_start3A_176 = arith.constant 0 : i32
          %dma_start3A_177 = arith.constant 0 : i32
          %dma_start3A_178 = tpu.memref_slice %arg6[%dma_start3A_176, %dma_start3A_177] : memref<1152x128xf32, #tpu.memory_space<vmem_shared>> -> memref<1152x128xf32, #tpu.memory_space<vmem_shared>>
          tpu.enqueue_indirect_dma source(%dma_start3A_172 : memref<128x128xf32, #tpu.memory_space<vmem>>) target(%dma_start3A_178 : memref<1152x128xf32, #tpu.memory_space<vmem_shared>>) offsets(%dma_start3A_175 : memref<128xi32, #tpu.memory_space<vmem>>) semaphore(%run_scoped3A_169 : memref<!tpu.dma_semaphore, #tpu.memory_space<semaphore_mem>>) {add = true}
          %dma_wait3A_179 = arith.constant 0 : i32
          %dma_wait3A_180 = arith.constant 0 : i32
          %dma_wait3A_181 = tpu.memref_slice %arg7[%run_scoped3A, %dma_wait3A_179, %dma_wait3A_180] : memref<4x128x128xf32, #tpu.memory_space<vmem>> -> memref<1x128x128xf32, #tpu.memory_space<vmem>>
          %dma_wait3A_182 = tpu.memref_squeeze %dma_wait3A_181 : memref<1x128x128xf32, #tpu.memory_space<vmem>> -> memref<128x128xf32, #tpu.memory_space<vmem>>
          %dma_wait3A_183 = arith.constant 0 : i32
          %dma_wait3A_184 = tpu.memref_slice %arg8[%run_scoped3A_168, %dma_wait3A_183] : memref<4x128xi32, #tpu.memory_space<vmem>> -> memref<1x128xi32, #tpu.memory_space<vmem>>
          %dma_wait3A_185 = tpu.memref_squeeze %dma_wait3A_184 : memref<1x128xi32, #tpu.memory_space<vmem>> -> memref<128xi32, #tpu.memory_space<vmem>>
          %dma_wait3A_186 = arith.constant 0 : i32
          %dma_wait3A_187 = arith.constant 0 : i32
          %dma_wait3A_188 = tpu.memref_slice %arg6[%dma_wait3A_186, %dma_wait3A_187] : memref<1152x128xf32, #tpu.memory_space<vmem_shared>> -> memref<1152x128xf32, #tpu.memory_space<vmem_shared>>
          tpu.wait_indirect_dma semaphore(%run_scoped3A_169 : memref<!tpu.dma_semaphore, #tpu.memory_space<semaphore_mem>>) src(%dma_wait3A_182 : memref<128x128xf32, #tpu.memory_space<vmem>>) dst(%dma_wait3A_188 : memref<1152x128xf32, #tpu.memory_space<vmem_shared>>)
          tpu.yield
        }) : () -> ()
      } else {
      }
      %eq3A_142 = arith.constant 781 : i32
      %eq3A_143 = arith.cmpi eq, %add3A_134, %eq3A_142 : i32
      %convert_element_type3A_144 = arith.extui %eq3A_143 : i1 to i32
      %cond3A_145 = arith.constant 0 : i32
      %cond3A_146 = arith.cmpi ne, %convert_element_type3A_144, %cond3A_145 : i32
      scf.if %cond3A_146 {
        %broadcast_in_dim3A = arith.constant 1024 : i32
        %broadcast_in_dim3A_147 = vector.broadcast %broadcast_in_dim3A : i32 to vector<16xi32>
        %swap3A = arith.constant 3 : i32
        %swap3A_148 = arith.index_cast %swap3A : i32 to index
        %swap3A_149 = arith.constant 32 : index
        %swap3A_150 = tpu.vector_load %arg8[%swap3A_148, %swap3A_149] {strides = array<i32>} : memref<4x128xi32, #tpu.memory_space<vmem>>, vector<1x16xi32>,
        %swap3A_151 = vector.shape_cast %swap3A_150 : vector<1x16xi32> to vector<16xi32>
        %swap3A_152 = vector.shape_cast %broadcast_in_dim3A_147 : vector<16xi32> to vector<1x16xi32>
        tpu.vector_store %arg8[%swap3A_148, %swap3A_149], %swap3A_152 {strides = array<i32>} : memref<4x128xi32, #tpu.memory_space<vmem>>, vector<1x16xi32>,
        %broadcast_in_dim3A_153 = arith.constant 1024 : i32
        %broadcast_in_dim3A_154 = vector.broadcast %broadcast_in_dim3A_153 : i32 to vector<16xi32>
        %swap3A_155 = arith.constant 3 : i32
        %swap3A_156 = arith.index_cast %swap3A_155 : i32 to index
        %swap3A_157 = arith.constant 48 : index
        %swap3A_158 = tpu.vector_load %arg8[%swap3A_156, %swap3A_157] {strides = array<i32>} : memref<4x128xi32, #tpu.memory_space<vmem>>, vector<1x16xi32>,
        %swap3A_159 = vector.shape_cast %swap3A_158 : vector<1x16xi32> to vector<16xi32>
        %swap3A_160 = vector.shape_cast %broadcast_in_dim3A_154 : vector<16xi32> to vector<1x16xi32>
        tpu.vector_store %arg8[%swap3A_156, %swap3A_157], %swap3A_160 {strides = array<i32>} : memref<4x128xi32, #tpu.memory_space<vmem>>, vector<1x16xi32>,
        %broadcast_in_dim3A_161 = arith.constant 1024 : i32
        %broadcast_in_dim3A_162 = vector.broadcast %broadcast_in_dim3A_161 : i32 to vector<16xi32>
        %swap3A_163 = arith.constant 3 : i32
        %swap3A_164 = arith.index_cast %swap3A_163 : i32 to index
        %swap3A_165 = arith.constant 64 : index
        %swap3A_166 = tpu.vector_load %arg8[%swap3A_164, %swap3A_165] {strides = array<i32>} : memref<4x128xi32, #tpu.memory_space<vmem>>, vector<1x16xi32>,
        %swap3A_167 = vector.shape_cast %swap3A_166 : vector<1x16xi32> to vector<16xi32>
        %swap3A_168 = vector.shape_cast %broadcast_in_dim3A_162 : vector<16xi32> to vector<1x16xi32>
        tpu.vector_store %arg8[%swap3A_164, %swap3A_165], %swap3A_168 {strides = array<i32>} : memref<4x128xi32, #tpu.memory_space<vmem>>, vector<1x16xi32>,
        %broadcast_in_dim3A_169 = arith.constant 1024 : i32
        %broadcast_in_dim3A_170 = vector.broadcast %broadcast_in_dim3A_169 : i32 to vector<16xi32>
        %swap3A_171 = arith.constant 3 : i32
        %swap3A_172 = arith.index_cast %swap3A_171 : i32 to index
        %swap3A_173 = arith.constant 80 : index
        %swap3A_174 = tpu.vector_load %arg8[%swap3A_172, %swap3A_173] {strides = array<i32>} : memref<4x128xi32, #tpu.memory_space<vmem>>, vector<1x16xi32>,
        %swap3A_175 = vector.shape_cast %swap3A_174 : vector<1x16xi32> to vector<16xi32>
        %swap3A_176 = vector.shape_cast %broadcast_in_dim3A_170 : vector<16xi32> to vector<1x16xi32>
        tpu.vector_store %arg8[%swap3A_172, %swap3A_173], %swap3A_176 {strides = array<i32>} : memref<4x128xi32, #tpu.memory_space<vmem>>, vector<1x16xi32>,
        %broadcast_in_dim3A_177 = arith.constant 1024 : i32
        %broadcast_in_dim3A_178 = vector.broadcast %broadcast_in_dim3A_177 : i32 to vector<16xi32>
        %swap3A_179 = arith.constant 3 : i32
        %swap3A_180 = arith.index_cast %swap3A_179 : i32 to index
        %swap3A_181 = arith.constant 96 : index
        %swap3A_182 = tpu.vector_load %arg8[%swap3A_180, %swap3A_181] {strides = array<i32>} : memref<4x128xi32, #tpu.memory_space<vmem>>, vector<1x16xi32>,
        %swap3A_183 = vector.shape_cast %swap3A_182 : vector<1x16xi32> to vector<16xi32>
        %swap3A_184 = vector.shape_cast %broadcast_in_dim3A_178 : vector<16xi32> to vector<1x16xi32>
        tpu.vector_store %arg8[%swap3A_180, %swap3A_181], %swap3A_184 {strides = array<i32>} : memref<4x128xi32, #tpu.memory_space<vmem>>, vector<1x16xi32>,
        %broadcast_in_dim3A_185 = arith.constant 1024 : i32
        %broadcast_in_dim3A_186 = vector.broadcast %broadcast_in_dim3A_185 : i32 to vector<16xi32>
        %swap3A_187 = arith.constant 3 : i32
        %swap3A_188 = arith.index_cast %swap3A_187 : i32 to index
        %swap3A_189 = arith.constant 112 : index
        %swap3A_190 = tpu.vector_load %arg8[%swap3A_188, %swap3A_189] {strides = array<i32>} : memref<4x128xi32, #tpu.memory_space<vmem>>, vector<1x16xi32>,
        %swap3A_191 = vector.shape_cast %swap3A_190 : vector<1x16xi32> to vector<16xi32>
        %swap3A_192 = vector.shape_cast %broadcast_in_dim3A_186 : vector<16xi32> to vector<1x16xi32>
        tpu.vector_store %arg8[%swap3A_188, %swap3A_189], %swap3A_192 {strides = array<i32>} : memref<4x128xi32, #tpu.memory_space<vmem>>, vector<1x16xi32>,
        %run_scoped3A = arith.constant 3 : i32
        "tpu.region"() ({
          %run_scoped3A_196 = tpu.sem_alloc : memref<!tpu.dma_semaphore, #tpu.memory_space<semaphore_mem>>
          %dma_start3A = arith.constant 0 : i32
          %dma_start3A_197 = tpu.memref_slice %arg8[%run_scoped3A, %dma_start3A] : memref<4x128xi32, #tpu.memory_space<vmem>> -> memref<1x32xi32, #tpu.memory_space<vmem>>
          %dma_start3A_198 = tpu.memref_squeeze %dma_start3A_197 : memref<1x32xi32, #tpu.memory_space<vmem>> -> memref<32xi32, #tpu.memory_space<vmem>>
          %dma_start3A_199 = tpu.memref_slice %arg3[%mul3A_136] : memref<100000xi32, #tpu.memory_space<hbm>> -> memref<32xi32, #tpu.memory_space<hbm>>
          %dma_start3A_200 = arith.constant 0 : i32
          %dma_start3A_201 = tpu.memref_slice %arg8[%run_scoped3A, %dma_start3A_200] : memref<4x128xi32, #tpu.memory_space<vmem>> -> memref<1x32xi32, #tpu.memory_space<vmem>>
          %dma_start3A_202 = tpu.memref_squeeze %dma_start3A_201 : memref<1x32xi32, #tpu.memory_space<vmem>> -> memref<32xi32, #tpu.memory_space<vmem>>
          %dma_start3A_203 = tpu.memref_slice %arg3[%mul3A_136] : memref<100000xi32, #tpu.memory_space<hbm>> -> memref<32xi32, #tpu.memory_space<hbm>>
          tpu.enqueue_dma source(%dma_start3A_203 : memref<32xi32, #tpu.memory_space<hbm>>) target(%dma_start3A_202 : memref<32xi32, #tpu.memory_space<vmem>>) target_semaphore(%run_scoped3A_196 : memref<!tpu.dma_semaphore, #tpu.memory_space<semaphore_mem>>)
          %dma_wait3A = arith.constant 0 : i32
          %dma_wait3A_204 = tpu.memref_slice %arg8[%run_scoped3A, %dma_wait3A] : memref<4x128xi32, #tpu.memory_space<vmem>> -> memref<1x32xi32, #tpu.memory_space<vmem>>
          %dma_wait3A_205 = tpu.memref_squeeze %dma_wait3A_204 : memref<1x32xi32, #tpu.memory_space<vmem>> -> memref<32xi32, #tpu.memory_space<vmem>>
          %dma_wait3A_206 = tpu.memref_slice %arg3[%mul3A_136] : memref<100000xi32, #tpu.memory_space<hbm>> -> memref<32xi32, #tpu.memory_space<hbm>>
          %dma_wait3A_207 = arith.constant 0 : i32
          %dma_wait3A_208 = tpu.memref_slice %arg8[%run_scoped3A, %dma_wait3A_207] : memref<4x128xi32, #tpu.memory_space<vmem>> -> memref<1x32xi32, #tpu.memory_space<vmem>>
          %dma_wait3A_209 = tpu.memref_squeeze %dma_wait3A_208 : memref<1x32xi32, #tpu.memory_space<vmem>> -> memref<32xi32, #tpu.memory_space<vmem>>
          %dma_wait3A_210 = tpu.memref_slice %arg3[%mul3A_136] : memref<100000xi32, #tpu.memory_space<hbm>> -> memref<32xi32, #tpu.memory_space<hbm>>
          tpu.wait_dma2 semaphore(%run_scoped3A_196 : memref<!tpu.dma_semaphore, #tpu.memory_space<semaphore_mem>>) src(%dma_wait3A_210 : memref<32xi32, #tpu.memory_space<hbm>>) dst(%dma_wait3A_209 : memref<32xi32, #tpu.memory_space<vmem>>)
          tpu.yield
        }) : () -> ()
        %run_scoped3A_193 = arith.constant 3 : i32
        "tpu.region"() ({
          %run_scoped3A_196 = tpu.sem_alloc : memref<!tpu.dma_semaphore, #tpu.memory_space<semaphore_mem>>
          %dma_start3A = arith.constant 0 : i32
          %dma_start3A_197 = arith.constant 0 : i32
          %dma_start3A_198 = tpu.memref_slice %arg7[%run_scoped3A_193, %dma_start3A, %dma_start3A_197] : memref<4x128x128xf32, #tpu.memory_space<vmem>> -> memref<1x32x128xf32, #tpu.memory_space<vmem>>
          %dma_start3A_199 = tpu.memref_squeeze %dma_start3A_198 : memref<1x32x128xf32, #tpu.memory_space<vmem>> -> memref<32x128xf32, #tpu.memory_space<vmem>>
          %dma_start3A_200 = arith.constant 0 : i32
          %dma_start3A_201 = tpu.memref_slice %arg2[%mul3A_136, %dma_start3A_200] : memref<100000x128xf32, #tpu.memory_space<hbm>> -> memref<32x128xf32, #tpu.memory_space<hbm>>
          %dma_start3A_202 = arith.constant 0 : i32
          %dma_start3A_203 = arith.constant 0 : i32
          %dma_start3A_204 = tpu.memref_slice %arg7[%run_scoped3A_193, %dma_start3A_202, %dma_start3A_203] : memref<4x128x128xf32, #tpu.memory_space<vmem>> -> memref<1x32x128xf32, #tpu.memory_space<vmem>>
          %dma_start3A_205 = tpu.memref_squeeze %dma_start3A_204 : memref<1x32x128xf32, #tpu.memory_space<vmem>> -> memref<32x128xf32, #tpu.memory_space<vmem>>
          %dma_start3A_206 = arith.constant 0 : i32
          %dma_start3A_207 = tpu.memref_slice %arg2[%mul3A_136, %dma_start3A_206] : memref<100000x128xf32, #tpu.memory_space<hbm>> -> memref<32x128xf32, #tpu.memory_space<hbm>>
          tpu.enqueue_dma source(%dma_start3A_207 : memref<32x128xf32, #tpu.memory_space<hbm>>) target(%dma_start3A_205 : memref<32x128xf32, #tpu.memory_space<vmem>>) target_semaphore(%run_scoped3A_196 : memref<!tpu.dma_semaphore, #tpu.memory_space<semaphore_mem>>)
          %dma_wait3A = arith.constant 0 : i32
          %dma_wait3A_208 = arith.constant 0 : i32
          %dma_wait3A_209 = tpu.memref_slice %arg7[%run_scoped3A_193, %dma_wait3A, %dma_wait3A_208] : memref<4x128x128xf32, #tpu.memory_space<vmem>> -> memref<1x32x128xf32, #tpu.memory_space<vmem>>
          %dma_wait3A_210 = tpu.memref_squeeze %dma_wait3A_209 : memref<1x32x128xf32, #tpu.memory_space<vmem>> -> memref<32x128xf32, #tpu.memory_space<vmem>>
          %dma_wait3A_211 = arith.constant 0 : i32
          %dma_wait3A_212 = tpu.memref_slice %arg2[%mul3A_136, %dma_wait3A_211] : memref<100000x128xf32, #tpu.memory_space<hbm>> -> memref<32x128xf32, #tpu.memory_space<hbm>>
          %dma_wait3A_213 = arith.constant 0 : i32
          %dma_wait3A_214 = arith.constant 0 : i32
          %dma_wait3A_215 = tpu.memref_slice %arg7[%run_scoped3A_193, %dma_wait3A_213, %dma_wait3A_214] : memref<4x128x128xf32, #tpu.memory_space<vmem>> -> memref<1x32x128xf32, #tpu.memory_space<vmem>>
          %dma_wait3A_216 = tpu.memref_squeeze %dma_wait3A_215 : memref<1x32x128xf32, #tpu.memory_space<vmem>> -> memref<32x128xf32, #tpu.memory_space<vmem>>
          %dma_wait3A_217 = arith.constant 0 : i32
          %dma_wait3A_218 = tpu.memref_slice %arg2[%mul3A_136, %dma_wait3A_217] : memref<100000x128xf32, #tpu.memory_space<hbm>> -> memref<32x128xf32, #tpu.memory_space<hbm>>
          tpu.wait_dma2 semaphore(%run_scoped3A_196 : memref<!tpu.dma_semaphore, #tpu.memory_space<semaphore_mem>>) src(%dma_wait3A_218 : memref<32x128xf32, #tpu.memory_space<hbm>>) dst(%dma_wait3A_216 : memref<32x128xf32, #tpu.memory_space<vmem>>)
          tpu.yield
        }) : () -> ()
        %run_scoped3A_194 = arith.constant 3 : i32
        %run_scoped3A_195 = arith.constant 3 : i32
        "tpu.region"() ({
          %run_scoped3A_196 = tpu.sem_alloc : memref<!tpu.dma_semaphore, #tpu.memory_space<semaphore_mem>>
          %dma_start3A = arith.constant 0 : i32
          %dma_start3A_197 = arith.constant 0 : i32
          %dma_start3A_198 = tpu.memref_slice %arg7[%run_scoped3A_194, %dma_start3A, %dma_start3A_197] : memref<4x128x128xf32, #tpu.memory_space<vmem>> -> memref<1x128x128xf32, #tpu.memory_space<vmem>>
          %dma_start3A_199 = tpu.memref_squeeze %dma_start3A_198 : memref<1x128x128xf32, #tpu.memory_space<vmem>> -> memref<128x128xf32, #tpu.memory_space<vmem>>
          %dma_start3A_200 = arith.constant 0 : i32
          %dma_start3A_201 = tpu.memref_slice %arg8[%run_scoped3A_195, %dma_start3A_200] : memref<4x128xi32, #tpu.memory_space<vmem>> -> memref<1x128xi32, #tpu.memory_space<vmem>>
          %dma_start3A_202 = tpu.memref_squeeze %dma_start3A_201 : memref<1x128xi32, #tpu.memory_space<vmem>> -> memref<128xi32, #tpu.memory_space<vmem>>
          %dma_start3A_203 = arith.constant 0 : i32
          %dma_start3A_204 = arith.constant 0 : i32
          %dma_start3A_205 = tpu.memref_slice %arg6[%dma_start3A_203, %dma_start3A_204] : memref<1152x128xf32, #tpu.memory_space<vmem_shared>> -> memref<1152x128xf32, #tpu.memory_space<vmem_shared>>
          tpu.enqueue_indirect_dma source(%dma_start3A_199 : memref<128x128xf32, #tpu.memory_space<vmem>>) target(%dma_start3A_205 : memref<1152x128xf32, #tpu.memory_space<vmem_shared>>) offsets(%dma_start3A_202 : memref<128xi32, #tpu.memory_space<vmem>>) semaphore(%run_scoped3A_196 : memref<!tpu.dma_semaphore, #tpu.memory_space<semaphore_mem>>) {add = true}
          %dma_wait3A = arith.constant 0 : i32
          %dma_wait3A_206 = arith.constant 0 : i32
          %dma_wait3A_207 = tpu.memref_slice %arg7[%run_scoped3A_194, %dma_wait3A, %dma_wait3A_206] : memref<4x128x128xf32, #tpu.memory_space<vmem>> -> memref<1x128x128xf32, #tpu.memory_space<vmem>>
          %dma_wait3A_208 = tpu.memref_squeeze %dma_wait3A_207 : memref<1x128x128xf32, #tpu.memory_space<vmem>> -> memref<128x128xf32, #tpu.memory_space<vmem>>
          %dma_wait3A_209 = arith.constant 0 : i32
          %dma_wait3A_210 = tpu.memref_slice %arg8[%run_scoped3A_195, %dma_wait3A_209] : memref<4x128xi32, #tpu.memory_space<vmem>> -> memref<1x128xi32, #tpu.memory_space<vmem>>
          %dma_wait3A_211 = tpu.memref_squeeze %dma_wait3A_210 : memref<1x128xi32, #tpu.memory_space<vmem>> -> memref<128xi32, #tpu.memory_space<vmem>>
          %dma_wait3A_212 = arith.constant 0 : i32
          %dma_wait3A_213 = arith.constant 0 : i32
          %dma_wait3A_214 = tpu.memref_slice %arg6[%dma_wait3A_212, %dma_wait3A_213] : memref<1152x128xf32, #tpu.memory_space<vmem_shared>> -> memref<1152x128xf32, #tpu.memory_space<vmem_shared>>
          tpu.wait_indirect_dma semaphore(%run_scoped3A_196 : memref<!tpu.dma_semaphore, #tpu.memory_space<semaphore_mem>>) src(%dma_wait3A_208 : memref<128x128xf32, #tpu.memory_space<vmem>>) dst(%dma_wait3A_214 : memref<1152x128xf32, #tpu.memory_space<vmem_shared>>)
          tpu.yield
        }) : () -> ()
      } else {
      }
    }
    %scan3A_25 = arith.constant 7 : i32
    %barrier3A_26 = arith.constant 0 : index
    tpu.barrier barrier_id(%barrier3A_26)
    %mul3A_27 = arith.constant 64 : i32
    %mul3A_28 = arith.muli %arg1, %mul3A_27 : i32
    %mul3A_29 = arith.constant 64 : i32
    %mul3A_30 = arith.muli %arg1, %mul3A_29 : i32
    "tpu.region"() ({
      %run_scoped3A = tpu.sem_alloc : memref<!tpu.dma_semaphore, #tpu.memory_space<semaphore_mem>>
      %dma_start3A = arith.constant 0 : i32
      %dma_start3A_31 = tpu.memref_slice %arg5[%arg0, %mul3A_30, %dma_start3A] : memref<2x1024x128xf32, #tpu.memory_space<hbm>> -> memref<1x64x128xf32, #tpu.memory_space<hbm>>
      %dma_start3A_32 = tpu.memref_squeeze %dma_start3A_31 : memref<1x64x128xf32, #tpu.memory_space<hbm>> -> memref<64x128xf32, #tpu.memory_space<hbm>>
      %dma_start3A_33 = arith.constant 0 : i32
      %dma_start3A_34 = tpu.memref_slice %arg6[%mul3A_28, %dma_start3A_33] : memref<1152x128xf32, #tpu.memory_space<vmem_shared>> -> memref<64x128xf32, #tpu.memory_space<vmem_shared>>
      tpu.enqueue_dma source(%dma_start3A_34 : memref<64x128xf32, #tpu.memory_space<vmem_shared>>) target(%dma_start3A_32 : memref<64x128xf32, #tpu.memory_space<hbm>>) target_semaphore(%run_scoped3A : memref<!tpu.dma_semaphore, #tpu.memory_space<semaphore_mem>>)
      %dma_wait3A = arith.constant 0 : i32
      %dma_wait3A_35 = tpu.memref_slice %arg5[%arg0, %mul3A_30, %dma_wait3A] : memref<2x1024x128xf32, #tpu.memory_space<hbm>> -> memref<1x64x128xf32, #tpu.memory_space<hbm>>
      %dma_wait3A_36 = tpu.memref_squeeze %dma_wait3A_35 : memref<1x64x128xf32, #tpu.memory_space<hbm>> -> memref<64x128xf32, #tpu.memory_space<hbm>>
      %dma_wait3A_37 = arith.constant 0 : i32
      %dma_wait3A_38 = tpu.memref_slice %arg6[%mul3A_28, %dma_wait3A_37] : memref<1152x128xf32, #tpu.memory_space<vmem_shared>> -> memref<64x128xf32, #tpu.memory_space<vmem_shared>>
      tpu.wait_dma2 semaphore(%run_scoped3A : memref<!tpu.dma_semaphore, #tpu.memory_space<semaphore_mem>>) src(%dma_wait3A_38 : memref<64x128xf32, #tpu.memory_space<vmem_shared>>) dst(%dma_wait3A_36 : memref<64x128xf32, #tpu.memory_space<hbm>>)
      tpu.yield
    }) : () -> ()
    return
  }
}

module attributes {stable_mosaic.version = 14 : i64} {
  func.func @_tc_mlp_body(%arg0: memref<2x1024x128xf32, #tpu.memory_space<vmem>>, %arg1: memref<128x128xf32, #tpu.memory_space<vmem>>, %arg2: memref<128x128xf32, #tpu.memory_space<vmem>>, %arg3: memref<1x128xf32, #tpu.memory_space<vmem>>, %arg4: memref<1024x128xf32, #tpu.memory_space<vmem>>) attributes {dimension_semantics = [], scalar_prefetch = 0 : i64, scratch_operands = 0 : i64, tpu.core_type = #tpu.core_type<tc>} {
    %get3A = arith.constant 0 : index
    %get3A_0 = arith.constant 0 : index
    %get3A_1 = arith.constant 0 : index
    %get3A_2 = vector.load %arg0[%get3A, %get3A_0, %get3A_1] : memref<2x1024x128xf32, #tpu.memory_space<vmem>>, vector<1x1024x128xf32>
    %get3A_3 = vector.shape_cast %get3A_2 : vector<1x1024x128xf32> to vector<1024x128xf32>
    %get3A_4 = arith.constant 1 : index
    %get3A_5 = arith.constant 0 : index
    %get3A_6 = arith.constant 0 : index
    %get3A_7 = vector.load %arg0[%get3A_4, %get3A_5, %get3A_6] : memref<2x1024x128xf32, #tpu.memory_space<vmem>>, vector<1x1024x128xf32>
    %get3A_8 = vector.shape_cast %get3A_7 : vector<1x1024x128xf32> to vector<1024x128xf32>
    %add3A = arith.addf %get3A_3, %get3A_8 : vector<1024x128xf32>
    %get3A_9 = arith.constant 0 : index
    %get3A_10 = arith.constant 0 : index
    %get3A_11 = vector.load %arg1[%get3A_9, %get3A_10] : memref<128x128xf32, #tpu.memory_space<vmem>>, vector<128x128xf32>
    %get3A_12 = arith.constant 0 : index
    %get3A_13 = arith.constant 0 : index
    %get3A_14 = vector.load %arg2[%get3A_12, %get3A_13] : memref<128x128xf32, #tpu.memory_space<vmem>>, vector<128x128xf32>
    %dot_general3A = arith.constant dense<0.000000e+00> : vector<128x128xf32>
    %dot_general3A_15 = tpu.matmul %get3A_11, %get3A_14, %dot_general3A {dimension_numbers = #tpu.dot_dimension_numbers<[1], [0], [0], [1], [0, 0, 1, 1], [], []>, transpose_lhs_hint = false} : vector<128x128xf32>, vector<128x128xf32>, vector<128x128xf32> -> vector<128x128xf32>
    %dot_general3A_16 = arith.constant dense<0.000000e+00> : vector<1024x128xf32>
    %dot_general3A_17 = tpu.matmul %add3A, %dot_general3A_15, %dot_general3A_16 {dimension_numbers = #tpu.dot_dimension_numbers<[1], [0], [0], [1], [0, 0, 1, 1], [], []>, transpose_lhs_hint = false} : vector<1024x128xf32>, vector<128x128xf32>, vector<1024x128xf32> -> vector<1024x128xf32>
    %get3A_18 = arith.constant 0 : index
    %get3A_19 = arith.constant 0 : index
    %get3A_20 = vector.load %arg3[%get3A_18, %get3A_19] : memref<1x128xf32, #tpu.memory_space<vmem>>, vector<1x128xf32>
    %add3A_21 = vector.broadcast %get3A_20 : vector<1x128xf32> to vector<1024x128xf32>
    %add3A_22 = arith.addf %dot_general3A_17, %add3A_21 : vector<1024x128xf32>
    %swap3A = arith.constant 0 : index
    %swap3A_23 = arith.constant 0 : index
    %swap3A_24 = vector.load %arg4[%swap3A, %swap3A_23] : memref<1024x128xf32, #tpu.memory_space<vmem>>, vector<1024x128xf32>
    tpu.vector_store %arg4[%swap3A, %swap3A_23], %add3A_22 {strides = array<i32>} : memref<1024x128xf32, #tpu.memory_space<vmem>>, vector<1024x128xf32>,
    return
  }
}

</mosaic_0001>

<sc_bundles>
// kernel: kernel.4.cloned.1.call-start
scs
__scs_entry_jumppad:
0x0: {  	(pc) =	sbr.rel $0x88, $3  }
0x1: {  	(tag) =	ssettag $0x0;
	lr =	simm.s32 $0x1  }
0x2: {  	[smem:$0x3F9C] =	sst lr;
	_ =	strace $0xD0000000  }
0x3: {  	_ = 	snop  }
0x4: {  	_ = 	snop  }
0x5: {  	_ = 	snop  }
0x6: {  	_ = 	snop  }
0x7: {  	_ = 	snop  }
__scs_overlays_trampoline_lowered:
0x8: {  	[smem:$0x3FAB] =	sst s0  }
0x9: {  	[smem:$0x3FAC] =	sst s1  }
0xa: {  	[smem:$0x3FAD] =	sst s2  }
0xb: {  	[smem:$0x3FAE] =	sst s3  }
0xc: {  	[smem:$0x3FAF] =	sst s4  }
0xd: {  	[smem:$0x3FB0] =	sst s5  }
0xe: {  	[smem:$0x3FB1] =	sst s6  }
0xf: {  	[smem:$0x3FB2] =	sst s7  }
0x10: {  	[smem:$0x3FB3] =	sst s8  }
0x11: {  	[smem:$0x3FB4] =	sst s9;
	s0 =	simm.s32 @!p0 $0x0  }
0x12: {  	s1 =	sld [smem:$0x3F9A];
	s0 =	simm.s32 @p0 $0x1  }
0x13: {  	[smem:$0x3FB5] =	sst s0;
	s0 =	simm.s32 @!p1 $0x0  }
0x14: {  	s2 =	sld [smem:$0x3F99];
	s0 =	simm.s32 @p1 $0x1  }
0x15: {  	[smem:$0x3FB6] =	sst s0;
	s0 =	simm.s32 @!p2 $0x0  }
0x16: {  	s3 =	sld [smem:$0x3FDB];
	s0 =	simm.s32 @p2 $0x1  }
0x17: {  	s4 =	simm.s32 $0x1BF5;
	[smem:$0x3FB8] =	sst s0  }
0x18: {  	s0 =	sld [smem:$0x3F9B];
	_ =	swait.ge [sflag:s4], $0x0  }
0x19: {  	s7 =	sld [smem:$0x3F9C]  }
0x1a: {  	s8 =	sadd.s32 $0xFFFFE003, lr  }
0x1b: {  	s9 =	sadd.s32 $0xFFFFFEF7, lr;
	s5 =	simm.s32 $0xFFFFFFFF;
	p2 =	slt.u32 s8, $0xFFFFF086  }
0x1c: {  	p1 =	slt.u32 s9, $0xF7A;
	s5 =	simm.s32 @!p2 $0x0  }
0x1d: {  	s5 =	simm.s32 @p1 $0x1;
	p0 =	seq.s32 s7, s2  }
0x1e: {  	s7 =	smul.u32 @!p0 $0xF7A, s2;
	p2 =	seq.s32 @!p0 s5, $0x0  }
0x1f: {  	s9 =	smul.u32 $0xF7A, s1;
	s8 =	simm.s32 @!p0 $0x1BF5;
	p2 =	por !p2, p0  }
0x20: {  	[sflag:s8] =	ssyncset.s32 @!p0 $0xFFFFF086;
	s6 =	sadd.s32 @!p0 s3, s7;
	s7 =	simm.s32 @!p0 $0x108  }
0x21: {  	s3 =	sadd.s32 s3, s9;
	s6 =	sadd.s32 @!p0 $0x88, s6;
	s7 =	simm.s32 @p2 $0x1082  }
0x22: {  	[simem:s7], [sflag:s8] =	dma.local @!p0 [hbm:s6], $0xF7A  }
0x23: {  	s9 =	sor.u32 $0xD0000000, s2;
	s6 =	simm.s32 $0x108;
	_ =	swait.ge @!p0 [sflag:s8], $0x0  }
0x24: {  	s3 =	sadd.s32 $0x88, s3;
	s6 =	simm.s32 @!p1 $0x1082;
	[sflag:s4] =	ssyncset.s32 $0xFFFFF086  }
0x25: {  	[simem:s6], [sflag:s4] =	dma.local [hbm:s3], $0xF7A  }
0x26: {  	[smem:$0x3F9C] =	sst s1;
	(tag) =	ssettag s2;
	_ =	strace s9  }
0x27: {  	s1 =	sld [smem:$0x3FAC]  }
0x28: {  	s2 =	sld [smem:$0x3FAD]  }
0x29: {  	s4 =	sld [smem:$0x3FAF]  }
0x2a: {  	p0 =	seq.s32 s5, $0x0;
	s5 =	sld [smem:$0x3FB0]  }
0x2b: {  	s6 =	sld [smem:$0x3FB1]  }
0x2c: {  	s7 =	sld [smem:$0x3FB2]  }
0x2d: {  	s3 =	simm.s32 $0x108;
	s8 =	sld [smem:$0x3FB3]  }
0x2e: {  	s3 =	simm.s32 @!p0 $0x1082;
	s9 =	sld [smem:$0x3FB4]  }
0x2f: {  	lr =	sadd.s32 s0, s3;
	s0 =	sld [smem:$0x3FAB]  }
0x30: {  	s3 =	sld [smem:$0x3FAE]  }
0x31: {  	[smem:$0x3FB7] =	sst s10  }
0x32: {  	s10 =	sld [smem:$0x3FB5];
	_ =	sdelay $0x3  }
0x33: {  	p0 =	seq.s32 s10, $0x1;
	s10 =	sld [smem:$0x3FB7];
	_ =	sdelay $0x3  }
0x34: {  	[smem:$0x3FB7] =	sst s10  }
0x35: {  	s10 =	sld [smem:$0x3FB6];
	_ =	sdelay $0x3  }
0x36: {  	p1 =	seq.s32 s10, $0x1;
	s10 =	sld [smem:$0x3FB7];
	_ =	sdelay $0x3  }
0x37: {  	[smem:$0x3FB7] =	sst s10  }
0x38: {  	s10 =	sld [smem:$0x3FB8]  }
0x39: {  	_ = 	snop;
	(pc) =	sbr.ind lr, $3  }
0x3a: {  	_ = 	snop  }
0x3b: {  	_ = 	snop  }
0x3c: {  	p2 =	seq.s32 s10, $0x1;
	s10 =	sld [smem:$0x3FB7]  }
0x3d: {  	_ =	shalt  }
0x3e: {  	_ =	shalt  }
0x3f: {  	_ =	shalt  }
0x40: {  	_ =	shalt  }
0x41: {  	_ =	shalt  }
0x42: {  	_ =	shalt  }
0x43: {  	_ =	shalt  }
0x44: {  	_ =	shalt  }
0x45: {  	_ =	shalt  }
0x46: {  	_ =	shalt  }
0x47: {  	_ =	shalt  }
0x48: {  	_ =	shalt  }
0x49: {  	_ =	shalt  }
0x4a: {  	_ =	shalt  }
0x4b: {  	_ =	shalt  }
0x4c: {  	_ =	shalt  }
0x4d: {  	_ =	shalt  }
0x4e: {  	_ =	shalt  }
0x4f: {  	_ =	shalt  }
0x50: {  	_ =	shalt  }
0x51: {  	_ =	shalt  }
0x52: {  	_ =	shalt  }
0x53: {  	_ =	shalt  }
0x54: {  	_ =	shalt  }
0x55: {  	_ =	shalt  }
0x56: {  	_ =	shalt  }
0x57: {  	_ =	shalt  }
0x58: {  	_ =	shalt  }
0x59: {  	_ =	shalt  }
0x5a: {  	_ =	shalt  }
0x5b: {  	_ =	shalt  }
0x5c: {  	_ =	shalt  }
0x5d: {  	_ =	shalt  }
0x5e: {  	_ =	shalt  }
0x5f: {  	_ =	shalt  }
0x60: {  	_ =	shalt  }
0x61: {  	_ =	shalt  }
0x62: {  	_ =	shalt  }
0x63: {  	_ =	shalt  }
0x64: {  	_ =	shalt  }
0x65: {  	_ =	shalt  }
0x66: {  	_ =	shalt  }
0x67: {  	_ =	shalt  }
0x68: {  	_ =	shalt  }
0x69: {  	_ =	shalt  }
0x6a: {  	_ =	shalt  }
0x6b: {  	_ =	shalt  }
0x6c: {  	_ =	shalt  }
0x6d: {  	_ =	shalt  }
0x6e: {  	_ =	shalt  }
0x6f: {  	_ =	shalt  }
0x70: {  	_ =	shalt  }
0x71: {  	_ =	shalt  }
0x72: {  	_ =	shalt  }
0x73: {  	_ =	shalt  }
0x74: {  	_ =	shalt  }
0x75: {  	_ =	shalt  }
0x76: {  	_ =	shalt  }
0x77: {  	_ =	shalt  }
0x78: {  	_ =	shalt  }
0x79: {  	_ =	shalt  }
0x7a: {  	_ =	shalt  }
0x7b: {  	_ =	shalt  }
0x7c: {  	_ =	shalt  }
0x7d: {  	_ =	shalt  }
0x7e: {  	_ =	shalt  }
0x7f: {  	_ =	shalt  }
0x80: {  	_ =	shalt  }
0x81: {  	_ =	shalt  }
0x82: {  	_ =	shalt  }
0x83: {  	_ =	shalt  }
0x84: {  	_ =	shalt  }
0x85: {  	_ =	shalt  }
0x86: {  	_ =	shalt  }
0x87: {  	_ =	shalt  }
.Lfunc_end0:
.L_simem_size_0:
called_computation_lowered:
.L_overlay_start_0:
0x88: {  	s2 =	sld [smem:$0x3FD9]  }
0x89: {  	s3 =	sld [smem:$0x3FFE];
	_ =	sdelay $0x1  }
0x8a: {  	s1 =	srdreg.scid  }
0x8b: {  	s0 =	sand.u32 $0x1, s1  }
0x8c: {  	s17 =	sshll.u32 s0, $0xA;
	s2 =	sadd.s32 s3, s2  }
0x8d: {  	s2 =	sadd.s32 s2, s17  }
0x8e: {  	[smem:$0x3FC3] =	sst s2  }
0x8f: {  	_ = 	snop  }
0x90: {  	s2 =	sld [smem:$0x3FC9]  }
0x91: {  	s18 =	sld [smem:$0x3FC8]  }
0x92: {  	s4 =	sld [smem:$0x3FD0];
	(tm) =	ssettm $0x1  }
0x93: {  	s5 =	sld [smem:$0x3FFB];
	_ =	sdelay $0x3  }
0x94: {  	_ =	strace s5  }
0x95: {  	s5 =	sld [smem:$0x3FFC];
	_ =	sdelay $0x3  }
0x96: {  	_ =	strace s5  }
0x97: {  	s5 =	sld [smem:$0x3FFD];
	_ =	sdelay $0x3  }
0x98: {  	_ =	strace s5  }
0x99: {  	_ =	strace $0x8FFFFFFF  }
0x9a: {  	s19 =	sld [smem:$0x3FDB];
	_ =	sdelay $0x1  }
0x9b: {  	s6 =	simm.s32 $_scs_section_size  }
0x9c: {  	s7 =	simm.s32 $_size__tile_overlayer_lowered;
	s8 =	simm.s32 $_tile_overlayer_lowered  }
0x9d: {  	s22 =	simm.s32 $0x1BFF;
	s21 =	sshll.u32 s8, $0x1;
	s5 =	sadd.s32 s6, s19  }
0x9e: {  	s9 =	simm.s32 $0x0;
	s20 =	sshll.u32 s7, $0x1;
	s7 =	sadd.s32 s21, s5  }
0x9f: {  	[timem:s9], [sflag:s22] =	dma.local [hbm:s7], s20  }
0xa0: {  	_ =	swait.ge [sflag:s22], s20  }
0xa1: {  	s6 =	ssub.s32 $0x0, s20;
	[sflag:s22] =	ssyncset.done $0x0  }
0xa2: {  	[sflag:s22] =	ssyncadd.s32 s6;
	_ =	sdelay $0x1  }
0xa3: {  	s23 =	simm.s32 $0x1B8B  }
0xa4: {  	_ =	swait.ge [sflag:s23], $0x1  }
0xa5: {  	[sflag:s23] =	ssyncset.done $0x0  }
0xa6: {  	s25 =	simm.s32 $0x1B8E;
	s24 =	sld [smem:$0x3FFE];
	[sflag:s23] =	ssyncadd.s32 $0xFFFFFFFF  }
0xa7: {  	s26 =	simm.s32 $execute0_lowered;
	[smem:$0x3FD2] =	sst s25  }
0xa8: {  	s7 =	sshll.u32 s26, $0x1;
	_ =	strace $0x80000046;
	[dreg:$0x1] =	wrdreg $0xFFFFFFFF  }
0xa9: {  	s28 =	simm.s32 $_size_execute0_lowered;
	s5 =	sadd.s32 s5, s7;
	[dreg:$0x0] =	wrdreg $0x0  }
0xaa: {  	s7 =	sshll.u32 s28, $0x1;
	[dreg:$0x2] =	wrdreg s5  }
0xab: {  	[dreg:$0x3] =	wrdreg s7  }
0xac: {  	[dreg:$0x4] =	wrdreg $0xC0  }
0xad: {  	_ =	task [dreg:s9], $0x5FFFF  }
0xae: {  	[dreg:$0x1] =	wrdreg $0xFFFFFFFF  }
0xaf: {  	[dreg:$0x0] =	wrdreg $0x60  }
0xb0: {  	[dreg:$0x2] =	wrdreg s2  }
0xb1: {  	[dreg:$0x3] =	wrdreg s18  }
0xb2: {  	[dreg:$0x4] =	wrdreg s4  }
0xb3: {  	[dreg:$0x5] =	wrdreg s24  }
0xb4: {  	[dreg:$0x6] =	wrdreg $0x0  }
0xb5: {  	[dreg:$0x7] =	wrdreg $0x9  }
0xb6: {  	_ =	task.clear_ibuf [dreg:s9], $0x8FFFF;
	_ =	strace $0x90000046  }
0xb7: {  	s29 =	simm.s32 $0x9;
	_ =	strace $0x80000048  }
0xb8: {  	_ =	swait.ge [sflag:s29], $0x1  }
0xb9: {  	[sflag:s29] =	ssyncadd.s32 $0xFFFFFFFF  }
0xba: {  	_ =	strace $0x90000048  }
0xbb: {  	_ =	sfence  }
0xbc: {  	s30 =	sld [smem:$0x0];
	_ =	sdelay $0x2  }
0xbd: {  	s31 =	sshll.u32 s1, $0xD;
	s1 =	sshrl.u32 s1, $0x2  }
0xbe: {  	s3 =	sand.u32 $0x4000, s31;
	s1 =	sadd.s32 s1, s30  }
0xbf: {  	s0 =	sor.u32 s3, s0;
	s1 =	sshll.u32 s1, $0x11  }
0xc0: {  	s0 =	sor.u32 s1, s0  }
0xc1: {  	s0 =	sadd.s32 $0x8F2B, s0  }
0xc2: {  	[sflag:s0] =	ssyncadd.remote.s32 $0x1  }
0xc3: {  	_ =	sfence.sel $0xFFFF  }
0xc4: {  	[dreg:$0x0] =	wrdreg $0xFFFFFFFF;
	(pc) =	sbr.abs _section_cstart, $3  }
0xc5: {  	[dreg:$0x1] =	wrdreg $0xFFFFFFFF  }
0xc6: {  	_ =	task.clear_ibuf [dreg:s9], $0x2FFFF;
	_ =	strace $0x9FFFFFFF  }
0xc7: {  	(tm) =	ssettm $0x7FFFFFFF  }
tec
execute0_lowered:
.L_overlay_start_1:
0x0: {  	(tag) =	ssettag $0x1  }
0x1: {  	s0 =	rddreg [dreg:$0x0]  }
0x2: {  	s1 =	rddreg [dreg:$0x1]  }
0x3: {  	s3 =	rddreg [dreg:$0x3]  }
0x4: {  	s2 =	rddreg [dreg:$0x4];
	s4 =	simm.s32 $0x0  }
0x5: {  	s5 =	srdreg.scid;
	s21 =	stileid.u32;
	s30 =	simm.s32 $0x9  }
0x6: {  	s31 =	simm.s32 $0x1;
	[smem:$0x7FF] =	sst s4;
	s6 =	sand.u32 $0x1, s5  }
0x7: {  	s16 =	sshll.u32 s21, $0xA;
	s8 =	sshll.u32 s21, $0x1;
	s12 =	smul.u32 $0x9000, s21  }
0x8: {  	s13 =	sshll.u32 s21, $0x6;
	s14 =	sadd.s32 $0x186800, s0;
	s26 =	sshll.u32 s21, $0x5  }
0x9: {  	_ =	strace $0x80000047;
	s7 =	ssub.s32 $0x2, s6;
	s3 =	sadd.s32 s16, s3  }
0xa: {  	s5 =	sor.u32 s6, s8;
	s29 =	sshll.u32 s6, $0x4;
	s9 =	sshrl.u32 s7, $0x1  }
0xb: {  	s17 =	sshll.u32 s5, $0x4;
	s19 =	sor.u32 $0x20, s5;
	s20 =	sshll.u32 s5, $0xB  }
0xc: {  	s11 =	sor.u32 $0x40, s5;
	s12 =	sshrl.u32 s12, $0x2;
	s15 =	ssub.s32 $0x2ED, s5  }
0xd: {  	s16 =	ssub.s32 $0x2CD, s5;
	s18 =	ssub.s32 s7, s9;
	s7 =	sadd.s32 s1, s17  }
0xe: {  	s22 =	sshll.u32 s19, $0x4;
	s9 =	sshll.u32 s19, $0xB;
	s10 =	sshll.u32 s11, $0x4  }
0xf: {  	s11 =	sshll.u32 s11, $0xB;
	s19 =	sadd.s32 s12, s2;
	s12 =	sor.u32 $0x1C09, s13  }
0x10: {  	s13 =	sadd.s32 $0x30D0, s1;
	s17 =	sshll.u32 s6, $0xE;
	s6 =	sshll.u32 s6, $0xB  }
0x11: {  	[dreg:$0x6] =	wrdreg s7;
	s7 =	sadd.s32 s0, s20;
	s23 =	sadd.s32 s1, s22  }
0x12: {  	s24 =	sadd.s32 s0, s9;
	s10 =	sadd.s32 s1, s10;
	s11 =	sadd.s32 s0, s11  }
0x13: {  	s3 =	sadd.s32 s17, s3;
	s20 =	sshll.u32 s21, $0xD;
	[dreg:$0x7] =	wrdreg s7  }
0x14: {  	s1 =	sadd.s32 s26, s1;
	s21 =	sshll.u32 s21, $0xC;
	[dreg:$0x8] =	wrdreg s23  }
0x15: {  	s18 =	smax.u32 s18, $0x1;
	s22 =	simm.s32 $0x2400;
	[dreg:$0x9] =	wrdreg s24  }
.Ltmp0:
0x16: {  	s17 =	sadd.s32 $0xC00, s3;
	s25 =	sadd.s32 s20, s2;
	(pc) =	sbr.rel .LBB2_1-.Ltmp0, $4  }
0x17: {  	s1 =	sadd.s32 s29, s1;
	s0 =	sadd.s32 s21, s0;
	s21 =	simm.s32 $0x12400  }
0x18: {  	s24 =	sshrl.u32 s19, $0x3;
	s3 =	simm.s32 $0x80;
	s23 =	simm.s32 $0x0  }
0x19: {  	s28 =	sadd.s32 $0x600, s1;
	s0 =	sadd.s32 s6, s0;
	s25 =	sshrl.u32 s25, $0x3  }
0x1a: {  	v0 =	vimm.s32 $0x400;
	s1 =	simm.s32 $0xA;
	s26 =	sadd.s32 $0x30000, s0;
	s0 =	simm.s32 $0x5  }
.LBB2_8:
0x1b: {  	s23 =	sadd.s32 $0x1, s23  }
0x1c: {  	p0 =	sne.s32 s23, s18  }
.Ltmp1:
0x1d: {  	[bflag:$0x0] =	sbarrier.arrive $0xFFFF;
	(pc) =	sbr.rel @!p0 .LBB2_9-.Ltmp1, $4  }
0x1e: {  	[hbm:s17], [sflag:s12] =	dma.local [spmem:s25], $0x400  }
0x1f: {  	_ =	swait.ge [sflag:s30], $0x400  }
0x20: {  	[sflag:s30] =	ssyncset.done $0x0  }
0x21: {  	[sflag:s30] =	ssyncadd.s32 $0xFFFFFC00  }
.LBB2_1:
0x22: {  	s6 =	rddreg [dreg:$0x6]  }
0x23: {  	[tilespmem:s21], [sflag:$0x1] =	stream.linear.gather [hbm4b:s6+s4], $0x80, $0x38;
	[tilespmem:$0x12600] =	vst v63  }
0x24: {  	s19 =	rddreg [dreg:$0x7]  }
0x25: {  	[tilespmem:s22], [sflag:$0x5] =	stream.linear.gather [hbm4b:s19+s4], $0x4000, $0x38;
	[tilespmem:$0x12600] =	vst v63  }
0x26: {  	s20 =	rddreg [dreg:$0x8];
	s7 =	simm.s32 $0x12480  }
0x27: {  	[tilespmem:s7], [sflag:$0x2] =	stream.linear.gather [hbm4b:s20+s4], $0x80, $0x38;
	[tilespmem:$0x12600] =	vst v63  }
0x28: {  	s8 =	simm.s32 $0x6400;
	s7 =	rddreg [dreg:$0x9]  }
0x29: {  	[tilespmem:s8], [sflag:$0x6] =	stream.linear.gather [hbm4b:s7+s4], $0x4000, $0x38;
	[tilespmem:$0x12600] =	vst v63  }
0x2a: {  	s9 =	simm.s32 $0x12500  }
0x2b: {  	[tilespmem:s9], [sflag:$0x3] =	stream.linear.gather [hbm4b:s10+s4], $0x80, $0x38;
	[tilespmem:$0x12600] =	vst v63  }
0x2c: {  	s19 =	simm.s32 $0xA400;
	s20 =	rddreg [dreg:$0x2]  }
0x2d: {  	[tilespmem:s19], [sflag:$0x7] =	stream.linear.gather [hbm4b:s11+s4], $0x4000, $0x38;
	[tilespmem:$0x12600] =	vst v63  }
0x2e: {  	[spmem:s24], [sflag:s12] =	dma.local [hbm:s20], $0x480  }
.Ltmp2:
0x2f: {  	_ =	swait.ge [sflag:s30], $0x480;
	(pc) =	sbr.rel .LBB2_2-.Ltmp2, $4  }
0x30: {  	[sflag:s30] =	ssyncset.done $0x0  }
0x31: {  	[sflag:s30] =	ssyncadd.s32 $0xFFFFFB80  }
0x32: {  	[bflag:$0x0] =	sbarrier.arrive $0xFFFF  }
0x33: {  	s29 =	simm.s32 $0x0;
	s19 =	smov.u32 s28;
	s20 =	smov.u32 s26  }
.LBB2_3:
0x34: {  	_ =	swait.ge [sflag:s31], $0x80  }
0x35: {  	[sflag:s31] =	ssyncset.done $0x0  }
0x36: {  	[sflag:s31] =	ssyncadd.s32 $0xFFFFFF80  }
0x37: {  	_ =	swait.ge [sflag:s0], $0x4000  }
0x38: {  	[sflag:s0] =	ssyncset.done $0x0  }
0x39: {  	[sflag:s0] =	ssyncadd.s32 $0xFFFFC000  }
.LBB2_6:
0x3a: {  	[spmem:s2] =	stream.indirect.scatter.add.f32 [tilespmem:s22], [sflag:$0xA], $0x80, s21, s3, $0xb8;
	[tilespmem:$0x12600] =	vst v63  }
0x3b: {  	_ =	swait.ge [sflag:s1], $0x4000  }
0x3c: {  	[sflag:s1] =	ssyncset.done $0x0  }
0x3d: {  	[sflag:s1] =	ssyncadd.s32 $0xFFFFC000  }
.LBB2_7:
0x3e: {  	s7 =	sadd.s32 $0x80, s6  }
0x3f: {  	p1 =	sgt.u32 s7, $0x30C  }
0x40: {  	s7 =	sadd.s32 @!p1 $0x200, s19;
	s8 =	simm.s32 @!p1 $0x0;
	s9 =	simm.s32 @!p1 $0x12400  }
0x41: {  	[tilespmem:s9], [sflag:$0x1] =	stream.linear.gather @!p1 [hbm4b:s7+s8], $0x80, $0x38;
	[tilespmem:$0x12600] =	vst v63  }
0x42: {  	s7 =	sadd.s32 @!p1 $0x10000, s20;
	s9 =	simm.s32 @!p1 $0x2400  }
0x43: {  	[tilespmem:s9], [sflag:$0x5] =	stream.linear.gather @!p1 [hbm4b:s7+s8], $0x4000, $0x38;
	[tilespmem:$0x12600] =	vst v63  }
0x44: {  	p1 =	sge.u32 s29, s15  }
0x45: {  	s7 =	simm.s32 @!p1 $0x2  }
0x46: {  	_ =	swait.ge @!p1 [sflag:s7], $0x80  }
0x47: {  	[sflag:s7] =	ssyncset.done @!p1 $0x0  }
0x48: {  	[sflag:s7] =	ssyncadd.s32 @!p1 $0xFFFFFF80;
	s7 =	simm.s32 @!p1 $0x6  }
0x49: {  	_ =	swait.ge @!p1 [sflag:s7], $0x4000  }
0x4a: {  	s8 =	simm.s32 @!p1 $0x12480;
	[sflag:s7] =	ssyncset.done @!p1 $0x0  }
0x4b: {  	s9 =	simm.s32 @!p1 $0x6400;
	[sflag:s7] =	ssyncadd.s32 @!p1 $0xFFFFC000;
	s7 =	simm.s32 @!p1 $0x80  }
0x4c: {  	[spmem:s2] =	stream.indirect.scatter.add.f32 @!p1 [tilespmem:s9], [sflag:$0xA], $0x80, s8, s7, $0xb8;
	[tilespmem:$0x12600] =	vst v63  }
0x4d: {  	s7 =	simm.s32 @!p1 $0xA  }
0x4e: {  	_ =	swait.ge @!p1 [sflag:s7], $0x4000  }
0x4f: {  	s9 =	sadd.s32 $0xA0, s6;
	[sflag:s7] =	ssyncset.done @!p1 $0x0  }
0x50: {  	[sflag:s7] =	ssyncadd.s32 @!p1 $0xFFFFC000;
	p1 =	sgt.u32 s9, $0x30C  }
0x51: {  	s7 =	sadd.s32 @!p1 $0x400, s19;
	s8 =	simm.s32 @!p1 $0x0;
	s9 =	simm.s32 @!p1 $0x12480  }
0x52: {  	[tilespmem:s9], [sflag:$0x2] =	stream.linear.gather @!p1 [hbm4b:s7+s8], $0x80, $0x38;
	[tilespmem:$0x12600] =	vst v63  }
0x53: {  	s7 =	sadd.s32 @!p1 $0x20000, s20;
	s9 =	simm.s32 @!p1 $0x6400  }
0x54: {  	[tilespmem:s9], [sflag:$0x6] =	stream.linear.gather @!p1 [hbm4b:s7+s8], $0x4000, $0x38;
	[tilespmem:$0x12600] =	vst v63  }
0x55: {  	p1 =	sge.u32 s29, s16  }
0x56: {  	s7 =	simm.s32 @!p1 $0x3  }
0x57: {  	_ =	swait.ge @!p1 [sflag:s7], $0x80  }
0x58: {  	[sflag:s7] =	ssyncset.done @!p1 $0x0  }
0x59: {  	[sflag:s7] =	ssyncadd.s32 @!p1 $0xFFFFFF80;
	s7 =	simm.s32 @!p1 $0x7  }
0x5a: {  	_ =	swait.ge @!p1 [sflag:s7], $0x4000  }
0x5b: {  	s8 =	simm.s32 @!p1 $0x12500;
	[sflag:s7] =	ssyncset.done @!p1 $0x0  }
0x5c: {  	s9 =	simm.s32 @!p1 $0xA400;
	[sflag:s7] =	ssyncadd.s32 @!p1 $0xFFFFC000;
	s7 =	simm.s32 @!p1 $0x80  }
0x5d: {  	[spmem:s2] =	stream.indirect.scatter.add.f32 @!p1 [tilespmem:s9], [sflag:$0xA], $0x80, s8, s7, $0xb8;
	[tilespmem:$0x12600] =	vst v63  }
0x5e: {  	s7 =	simm.s32 @!p1 $0xA  }
0x5f: {  	_ =	swait.ge @!p1 [sflag:s7], $0x4000  }
0x60: {  	s9 =	sadd.s32 $0xC0, s6;
	[sflag:s7] =	ssyncset.done @!p1 $0x0  }
0x61: {  	[sflag:s7] =	ssyncadd.s32 @!p1 $0xFFFFC000;
	p1 =	sgt.u32 s9, $0x30C  }
0x62: {  	s6 =	sadd.s32 @!p1 $0x600, s19;
	s7 =	simm.s32 @!p1 $0x0;
	s8 =	simm.s32 @!p1 $0x12500  }
0x63: {  	[tilespmem:s8], [sflag:$0x3] =	stream.linear.gather @!p1 [hbm4b:s6+s7], $0x80, $0x38;
	[tilespmem:$0x12600] =	vst v63  }
0x64: {  	s6 =	sadd.s32 @!p1 $0x30000, s20;
	s8 =	simm.s32 @!p1 $0xA400  }
0x65: {  	[tilespmem:s8], [sflag:$0x7] =	stream.linear.gather @!p1 [hbm4b:s6+s7], $0x4000, $0x38;
	[tilespmem:$0x12600] =	vst v63  }
0x66: {  	s6 =	simm.s32 @!p0 $0x4  }
0x67: {  	_ =	swait.ge @!p0 [sflag:s6], $0x80  }
0x68: {  	[sflag:s6] =	ssyncset.done @!p0 $0x0  }
0x69: {  	[sflag:s6] =	ssyncadd.s32 @!p0 $0xFFFFFF80;
	s6 =	simm.s32 @!p0 $0x8  }
0x6a: {  	s29 =	sadd.s32 $0x80, s29;
	_ =	swait.ge @!p0 [sflag:s6], $0x4000  }
0x6b: {  	s7 =	simm.s32 @!p0 $0x12580;
	s8 =	simm.s32 @!p0 $0xE400;
	[sflag:s6] =	ssyncset.done @!p0 $0x0  }
0x6c: {  	p1 =	sne.s32 s29, $0x380;
	[sflag:s6] =	ssyncadd.s32 @!p0 $0xFFFFC000;
	s6 =	simm.s32 @!p0 $0x80  }
0x6d: {  	[spmem:s2] =	stream.indirect.scatter.add.f32 @!p0 [tilespmem:s8], [sflag:$0xA], $0x80, s7, s6, $0xb8;
	[tilespmem:$0x12600] =	vst v63  }
.Ltmp3:
0x6e: {  	_ = 	snop;
	(pc) =	sbr.rel @!p1 .LBB2_8-.Ltmp3, $4  }
0x6f: {  	s6 =	simm.s32 @!p0 $0xA  }
0x70: {  	_ =	swait.ge @!p0 [sflag:s6], $0x4000  }
0x71: {  	[sflag:s6] =	ssyncset.done @!p0 $0x0  }
0x72: {  	s19 =	sadd.s32 $0x800, s19;
	s20 =	sadd.s32 $0x40000, s20;
	[sflag:s6] =	ssyncadd.s32 @!p0 $0xFFFFC000  }
.LBB2_2:
0x73: {  	s6 =	sadd.s32 s29, s5  }
0x74: {  	s7 =	sadd.s32 $0x60, s6;
	p1 =	sgt.u32 s6, $0x30C  }
.Ltmp4:
0x75: {  	p0 =	sgt.u32 s7, $0x30C;
	(pc) =	sbr.rel @!p1 .LBB2_3-.Ltmp4, $4  }
0x76: {  	s7 =	simm.s32 @!p0 $0x0;
	s8 =	simm.s32 @!p0 $0x12580  }
0x77: {  	[tilespmem:s8], [sflag:$0x4] =	stream.linear.gather @!p0 [hbm4b:s19+s7], $0x80, $0x38;
	[tilespmem:$0x12600] =	vst v63  }
0x78: {  	s8 =	simm.s32 @!p0 $0xE400  }
0x79: {  	[tilespmem:s8], [sflag:$0x8] =	stream.linear.gather @!p0 [hbm4b:s20+s7], $0x4000, $0x38;
	[tilespmem:$0x12600] =	vst v63  }
0x7a: {  	s7 =	sadd.s32 $0xFFFFFCF3, s6  }
0x7b: {  	p1 =	sne.s32 s7, $0x0  }
.Ltmp5:
0x7c: {  	_ = 	snop;
	(pc) =	sbr.rel @p1 .LBB2_7-.Ltmp5, $1  }
0x7d: {  	_ =	sdelay $0x3  }
0x7e: {  	[tilespmem:$0x12420] =	vst v0  }
0x7f: {  	[tilespmem:$0x12430] =	vst v0  }
0x80: {  	[tilespmem:$0x12440] =	vst v0  }
0x81: {  	[tilespmem:$0x12450] =	vst v0  }
0x82: {  	[tilespmem:$0x12460] =	vst v0  }
0x83: {  	[tilespmem:$0x12470] =	vst v0  }
0x84: {  	[tilespmem:s21], [sflag:$0xA] =	stream.linear.gather [hbm4b:s13+s4], $0x20, $0x38;
	[tilespmem:$0x12600] =	vst v63  }
0x85: {  	_ =	swait.ge [sflag:s1], $0x20  }
0x86: {  	[sflag:s1] =	ssyncset.done $0x0  }
.Ltmp6:
0x87: {  	[sflag:s1] =	ssyncadd.s32 $0xFFFFFFE0;
	(pc) =	sbr.rel .LBB2_6-.Ltmp6, $4  }
0x88: {  	[tilespmem:s22], [sflag:$0xA] =	stream.linear.gather [hbm4b:s14+s4], $0x1000, $0x38;
	[tilespmem:$0x12600] =	vst v63  }
0x89: {  	_ =	swait.ge [sflag:s1], $0x1000  }
0x8a: {  	[sflag:s1] =	ssyncset.done $0x0  }
0x8b: {  	[sflag:s1] =	ssyncadd.s32 $0xFFFFF000  }
.LBB2_9:
0x8c: {  	_ =	sfence.sel $0x180000  }
0x8d: {  	[bflag:$0x0] =	sbarrier.arrive $0xFFFF  }
0x8e: {  	_ =	strace $0x90000047  }
0x8f: {  	s0 =	stileid.u32;
	[bflag:$0x2] =	sbarrier.arrive $0xFFFF  }
0x90: {  	p0 =	sne.s32 s0, $0x0;
	s0 =	rddreg [dreg:$0x5]  }
0x91: {  	s0 =	sadd.s32 @!p0 $0x100000, s0  }
0x92: {  	[sflag:s0] =	ssyncadd.tile.s32 @!p0 $0x1;
	_ =	shalt  }
.Lfunc_end2:
_tile_overlayer_lowered:
.L_overlay_start_2:
0x93: {  	(tag) =	ssettag $0x2  }
0x94: {  	s0 =	rddreg [dreg:$0x0];
	s2 =	stileid.u32  }
0x95: {  	s1 =	rddreg [dreg:$0x1];
	p0 =	sne.s32 s2, $0x0  }
0x96: {  	s3 =	rddreg [dreg:$0x2];
	[bflag:$0x3] =	sbarrier.arrive $0xFFFF;
	s2 =	simm.s32 @!p0 $0x1C09  }
0x97: {  	[timem:s3], [sflag:s2] =	dma.local @!p0 [hbm:s0], s1  }
0x98: {  	s0 =	simm.s32 @!p0 $0x9  }
0x99: {  	_ =	swait.ge @!p0 [sflag:s0], s1  }
0x9a: {  	s1 =	ssub.s32 @!p0 $0x0, s1;
	[sflag:s0] =	ssyncset.done @!p0 $0x0  }
0x9b: {  	[sflag:s0] =	ssyncadd.s32 @!p0 s1  }
0x9c: {  	[bflag:$0x3] =	sbarrier.arrive $0xFFFF  }
0x9d: {  	_ =	shalt  }

</sc_bundles>
